<compile_context>
chip_gen: v7x
topology: tpu7x:2x2x1
jax: 0.10.2.dev20260603
libtpu: 0.0.44.dev20260713+nightly
codegen_flags: <defaults>
</compile_context>

<pallas_src>
import functools

import jax
import jax.numpy as jnp
from jax import lax
from jax.experimental import pallas as pl
from jax.experimental.pallas import tpu as pltpu
from jax.experimental.pallas import tpu_sc as plsc

NC = 2
NS = 16
LANES = 16
K = 128



@functools.lru_cache(maxsize=None)
def _make_sc_agg(n, d, ch, with_counts):
    dh = d // NC
    zrows = 128 * (-(-n // (128 * NS)))
    sh_rows = zrows * NS
    last = n - (NS - 1) * zrows
    cnt_pad = sh_rows

    mesh = plsc.VectorSubcoreMesh(
        core_axis_name="c", subcore_axis_name="s",
        num_cores=NC, num_subcores=NS)

    out_type = [jax.ShapeDtypeStruct((n, d), jnp.float32)]
    if with_counts:
        out_type.append(jax.ShapeDtypeStruct((cnt_pad,), jnp.float32))

    scratch = [
        pltpu.VMEM((ch, K), jnp.int32),
        pltpu.VMEM((ch, K), jnp.int32),
        pltpu.VMEM((K, dh), jnp.float32),
        pltpu.VMEM((K,), jnp.float32),
        pltpu.VMEM_SHARED((sh_rows, dh), jnp.float32),
        pltpu.VMEM_SHARED((cnt_pad,), jnp.float32),
        pltpu.SemaphoreType.DMA,
    ]

    @functools.partial(pl.kernel, mesh=mesh, out_type=out_type,
                       scratch_types=scratch)
    def sc_agg(x2, srcx, dstp, z2d, z1d, ones_h, *refs):
        if with_counts:
            agg_out, cnt_out = refs[0], refs[1]
            rest = refs[2:]
        else:
            agg_out = refs[0]
            rest = refs[1:]
        idx_s, idx_d, rows, ones_v, agg_sh, cnt_sh, sem = rest

        c = lax.axis_index("c")
        s = lax.axis_index("s")

        pltpu.sync_copy(z2d, agg_sh.at[pl.ds(s * zrows, zrows)])
        if with_counts:
            @pl.when(c == 0)
            def _():
                pltpu.sync_copy(z1d, cnt_sh.at[pl.ds(s * zrows, zrows)])
                pltpu.sync_copy(ones_h, ones_v)

        pltpu.sync_copy(srcx.at[c, s], idx_s)
        pltpu.sync_copy(dstp.at[s], idx_d)
        plsc.subcore_barrier()

        def chunk(j, _):
            pltpu.async_copy(x2.at[idx_s.at[j]], rows, sem).wait()
            pltpu.sync_copy(rows, agg_sh.at[idx_d.at[j]], add=True)
            if with_counts:
                @pl.when(c == 0)
                def _():
                    pltpu.sync_copy(ones_v, cnt_sh.at[idx_d.at[j]], add=True)
            return 0

        lax.fori_loop(0, ch, chunk, 0)
        plsc.subcore_barrier()

        @pl.when(s < NS - 1)
        def _():
            pltpu.sync_copy(agg_sh.at[pl.ds(s * zrows, zrows)],
                            agg_out.at[pl.ds(s * zrows, zrows),
                                       pl.ds(c * dh, dh)])

        @pl.when(s == NS - 1)
        def _():
            pltpu.sync_copy(agg_sh.at[pl.ds((NS - 1) * zrows, last)],
                            agg_out.at[pl.ds((NS - 1) * zrows, last),
                                       pl.ds(c * dh, dh)])
        if with_counts:
            @pl.when(c == 0)
            def _():
                pltpu.sync_copy(cnt_sh.at[pl.ds(s * zrows, zrows)],
                                cnt_out.at[pl.ds(s * zrows, zrows)])

    return sc_agg


def _edge_setup(src, dst, n):
    e = src.shape[0]
    et = e // NS
    ch = -(-et // K)
    pad = ch * K - et
    srct = src.reshape(NS, et)
    dstt = dst.reshape(NS, et)
    if pad:
        psrc = jnp.broadcast_to((jnp.arange(pad, dtype=jnp.int32) * 97) % n,
                                (NS, pad))
        pdst = jnp.broadcast_to(n + (jnp.arange(pad, dtype=jnp.int32) % LANES),
                                (NS, pad))
        srct = jnp.concatenate([srct, psrc], axis=1)
        dstt = jnp.concatenate([dstt, pdst], axis=1)
    srcx = jnp.stack([srct * 2, srct * 2 + 1]).reshape(NC, NS, ch, K)
    dstp = dstt.reshape(NS, ch, K)
    return srcx, dstp, ch



def _dot_t(a, w):
    return lax.dot_general(a, w, (((1,), (1,)), ((), ())),
                           preferred_element_type=jnp.float32)


def _tc_layer_body(agg, cnt, x, wl, bl, wr, out):
    inv = 1.0 / jnp.maximum(cnt[...], 1.0)
    mean = agg[...] * inv
    h = _dot_t(mean, wl[...]) + _dot_t(x[...], wr[...]) + bl[...]
    out[...] = jnp.maximum(h, 0.0)


def _tc_final_body(agg, cnt, x, wl, bl, wr, wp1, bp1, wp2, bp2, out):
    inv = 1.0 / jnp.maximum(cnt[...], 1.0)
    mean = agg[...] * inv
    h = _dot_t(mean, wl[...]) + _dot_t(x[...], wr[...]) + bl[...]
    h = jnp.maximum(h, 0.0)
    h = _dot_t(h, wp1[...]) + bp1[...]
    out[...] = _dot_t(h, wp2[...]) + bp2[...]


@functools.lru_cache(maxsize=None)
def _make_tc(n, d, h, final):
    blk = 1000
    grid = n // blk
    row = lambda i: (i, 0)
    rep = lambda i: (0, 0)
    mat = pl.BlockSpec((blk, d), row)
    w_l = pl.BlockSpec((h, d), rep)
    b_l = pl.BlockSpec((1, h), rep)
    in_specs = [mat, pl.BlockSpec((blk, 1), row), mat, w_l, b_l, w_l]
    if final:
        in_specs += [pl.BlockSpec((h, h), rep), b_l,
                     pl.BlockSpec((h, h), rep), b_l]
    return pl.pallas_call(
        _tc_final_body if final else _tc_layer_body,
        grid=(grid,),
        in_specs=in_specs,
        out_specs=pl.BlockSpec((blk, h), row),
        out_shape=jax.ShapeDtypeStruct((n, h), jnp.float32),
    )



def kernel(x, edge_index, Wl1, bl1, Wr1, Wl2, bl2, Wr2, Wp1, bp1, Wp2, bp2):
    n, d = x.shape
    h = Wl1.shape[0]
    src = edge_index[0]
    dst = edge_index[1]

    srcx, dstp, ch = _edge_setup(src, dst, n)
    dh = d // NC
    zrows = 128 * (-(-n // (128 * NS)))
    z2d = jnp.zeros((zrows, dh), jnp.float32)
    z1d = jnp.zeros((zrows,), jnp.float32)
    ones_h = jnp.ones((K,), jnp.float32)

    sc_agg1 = _make_sc_agg(n, d, ch, True)
    sc_agg2 = _make_sc_agg(n, h, ch, False)
    tc1 = _make_tc(n, d, h, False)
    tc2 = _make_tc(n, h, h, True)

    x2 = x.reshape(n * NC, dh)
    agg1, cntp = sc_agg1(x2, srcx, dstp, z2d, z1d, ones_h)
    cnt = cntp[:n].reshape(n, 1)

    bl1r = bl1.reshape(1, h)
    h1 = tc1(agg1, cnt, x, Wl1, bl1r, Wr1)

    h1_2 = h1.reshape(n * NC, h // NC)
    (agg2,) = sc_agg2(h1_2, srcx, dstp, z2d, z1d, ones_h)

    out = tc2(agg2, cnt, h1, Wl2, bl2.reshape(1, h), Wr2,
              Wp1, bp1.reshape(1, h), Wp2, bp2.reshape(1, h))
    return out

# --- scband reference (transcript-rebuilt; emitter-appended) ---
"""Pipeline reference for scband-graph-sage-52621939311216 (READ-ONLY COPY).

The authoritative reference and input builder live on the scoring server;
editing this copy changes nothing except your own understanding.
"""

import jax, jax.numpy as jnp
import numpy as np

N = 10000
E = 160000
D = 256
H = 256


def setup_inputs(seed: int = 0) -> dict:
    key = jax.random.key(seed)
    ks = jax.random.split(key, 14)
    x = jax.random.normal(ks[0], (N, D), dtype=jnp.float32)
    edge_index = jax.random.randint(ks[1], (2, E), 0, N, dtype=jnp.int32)

    def lin(k, fan_out, fan_in):
        s = 1.0 / np.sqrt(fan_in)
        return jax.random.uniform(k, (fan_out, fan_in), dtype=jnp.float32, minval=-s, maxval=s)

    def bias(k, fan_out, fan_in):
        s = 1.0 / np.sqrt(fan_in)
        return jax.random.uniform(k, (fan_out,), dtype=jnp.float32, minval=-s, maxval=s)

    return {
        "x": x,
        "edge_index": edge_index,
        # SAGEConv layer 1: lin_l (applied to aggregated neighbors, has bias), lin_r (root, no bias)
        "Wl1": lin(ks[2], H, D), "bl1": bias(ks[3], H, D), "Wr1": lin(ks[4], H, D),
        # SAGEConv layer 2
        "Wl2": lin(ks[5], H, H), "bl2": bias(ks[6], H, H), "Wr2": lin(ks[7], H, H),
        # post_mp: Linear(H,H) -> Dropout -> Linear(H,H)
        "Wp1": lin(ks[8], H, H), "bp1": bias(ks[9], H, H),
        "Wp2": lin(ks[10], H, H), "bp2": bias(ks[11], H, H),
    }


def _sage_conv(x, edge_index, Wl, bl, Wr):
    # PyG SAGEConv with mean aggregation:
    #   out = lin_l(mean_{j in N(i)} x_j) + lin_r(x_i)
    src = edge_index[0]
    dst = edge_index[1]
    msg = jnp.take(x, src, axis=0)
    agg = jax.ops.segment_sum(msg, dst, num_segments=x.shape[0])
    cnt = jax.ops.segment_sum(
        jnp.ones((edge_index.shape[1], 1), dtype=x.dtype), dst, num_segments=x.shape[0]
    )
    mean = agg / jnp.clip(cnt, 1.0, None)
    return mean @ Wl.T + bl + x @ Wr.T


def reference(x, edge_index, Wl1, bl1, Wr1, Wl2, bl2, Wr2, Wp1, bp1, Wp2, bp2):
    # GNNStack.forward in eval mode (dropout = identity), emb=True so no log_softmax
    h = jax.nn.relu(_sage_conv(x, edge_index, Wl1, bl1, Wr1))
    h = jax.nn.relu(_sage_conv(h, edge_index, Wl2, bl2, Wr2))
    h = h @ Wp1.T + bp1
    h = h @ Wp2.T + bp2
    return h

if __name__ == "__main__":
    import jax
    _d = setup_inputs()
    print(jax.jit(kernel)(*tuple(_d.values())))

</pallas_src>

<mosaic_0001>
#map = affine_map<(d0, d1) -> (0, 0)>
#map1 = affine_map<(d0, d1) -> (0, 0, 0, 0)>
#map2 = affine_map<(d0, d1) -> (0, 0, 0)>
#map3 = affine_map<(d0, d1) -> (0)>
module attributes {stable_mosaic.version = 14 : i64} {
  func.func @sc_agg(%arg0: i32, %arg1: i32, %arg2: memref<20000x128xf32, #tpu.memory_space<hbm>>, %arg3: memref<2x16x79x128xi32, #tpu.memory_space<hbm>>, %arg4: memref<16x79x128xi32, #tpu.memory_space<hbm>>, %arg5: memref<640x128xf32, #tpu.memory_space<hbm>>, %arg6: memref<640xf32, #tpu.memory_space<hbm>>, %arg7: memref<128xf32, #tpu.memory_space<hbm>>, %arg8: memref<10000x256xf32, #tpu.memory_space<hbm>>, %arg9: memref<79x128xi32, #tpu.memory_space<vmem>>, %arg10: memref<79x128xi32, #tpu.memory_space<vmem>>, %arg11: memref<128x128xf32, #tpu.memory_space<vmem>>, %arg12: memref<128xf32, #tpu.memory_space<vmem>>, %arg13: memref<10240x128xf32, #tpu.memory_space<vmem_shared>>, %arg14: memref<10240xf32, #tpu.memory_space<vmem_shared>>, %arg15: memref<!tpu.dma_semaphore, #tpu.memory_space<semaphore_mem>>) attributes {dimension_semantics = [#tpu.dimension_semantics<core_parallel>, #tpu.dimension_semantics<subcore_parallel>], iteration_bounds = array<i64: 2, 16>, scalar_prefetch = 0 : i64, scratch_operands = 7 : i64, tpu.core_type = #tpu.core_type<sc_vector_subcore>, window_params = [{transform_indices = #map}, {transform_indices = #map1}, {transform_indices = #map2}, {transform_indices = #map}, {transform_indices = #map3}, {transform_indices = #map3}, {transform_indices = #map}]} {
    %mul3A = arith.constant 640 : i32
    %mul3A_0 = arith.muli %arg1, %mul3A : i32
    "tpu.region"() ({
      %run_scoped3A = tpu.sem_alloc : memref<!tpu.dma_semaphore, #tpu.memory_space<semaphore_mem>>
      %dma_start3A = arith.constant 0 : i32
      %dma_start3A_14 = tpu.memref_slice %arg13[%mul3A_0, %dma_start3A] : memref<10240x128xf32, #tpu.memory_space<vmem_shared>> -> memref<640x128xf32, #tpu.memory_space<vmem_shared>>
      tpu.enqueue_dma source(%arg5 : memref<640x128xf32, #tpu.memory_space<hbm>>) target(%dma_start3A_14 : memref<640x128xf32, #tpu.memory_space<vmem_shared>>) target_semaphore(%run_scoped3A : memref<!tpu.dma_semaphore, #tpu.memory_space<semaphore_mem>>)
      %dma_wait3A = arith.constant 0 : i32
      %dma_wait3A_15 = tpu.memref_slice %arg13[%mul3A_0, %dma_wait3A] : memref<10240x128xf32, #tpu.memory_space<vmem_shared>> -> memref<640x128xf32, #tpu.memory_space<vmem_shared>>
      tpu.wait_dma2 semaphore(%run_scoped3A : memref<!tpu.dma_semaphore, #tpu.memory_space<semaphore_mem>>) src(%arg5 : memref<640x128xf32, #tpu.memory_space<hbm>>) dst(%dma_wait3A_15 : memref<640x128xf32, #tpu.memory_space<vmem_shared>>)
      tpu.yield
    }) : () -> ()
    "tpu.region"() ({
      %run_scoped3A = tpu.sem_alloc : memref<!tpu.dma_semaphore, #tpu.memory_space<semaphore_mem>>
      %dma_start3A = arith.constant 0 : i32
      %dma_start3A_14 = arith.constant 0 : i32
      %dma_start3A_15 = tpu.memref_slice %arg3[%arg0, %arg1, %dma_start3A, %dma_start3A_14] : memref<2x16x79x128xi32, #tpu.memory_space<hbm>> -> memref<1x1x79x128xi32, #tpu.memory_space<hbm>>
      %dma_start3A_16 = tpu.memref_squeeze %dma_start3A_15 : memref<1x1x79x128xi32, #tpu.memory_space<hbm>> -> memref<79x128xi32, #tpu.memory_space<hbm>>
      %dma_start3A_17 = arith.constant 0 : i32
      %dma_start3A_18 = arith.constant 0 : i32
      %dma_start3A_19 = tpu.memref_slice %arg3[%arg0, %arg1, %dma_start3A_17, %dma_start3A_18] : memref<2x16x79x128xi32, #tpu.memory_space<hbm>> -> memref<1x1x79x128xi32, #tpu.memory_space<hbm>>
      %dma_start3A_20 = tpu.memref_squeeze %dma_start3A_19 : memref<1x1x79x128xi32, #tpu.memory_space<hbm>> -> memref<79x128xi32, #tpu.memory_space<hbm>>
      tpu.enqueue_dma source(%dma_start3A_20 : memref<79x128xi32, #tpu.memory_space<hbm>>) target(%arg9 : memref<79x128xi32, #tpu.memory_space<vmem>>) target_semaphore(%run_scoped3A : memref<!tpu.dma_semaphore, #tpu.memory_space<semaphore_mem>>)
      %dma_wait3A = arith.constant 0 : i32
      %dma_wait3A_21 = arith.constant 0 : i32
      %dma_wait3A_22 = tpu.memref_slice %arg3[%arg0, %arg1, %dma_wait3A, %dma_wait3A_21] : memref<2x16x79x128xi32, #tpu.memory_space<hbm>> -> memref<1x1x79x128xi32, #tpu.memory_space<hbm>>
      %dma_wait3A_23 = tpu.memref_squeeze %dma_wait3A_22 : memref<1x1x79x128xi32, #tpu.memory_space<hbm>> -> memref<79x128xi32, #tpu.memory_space<hbm>>
      %dma_wait3A_24 = arith.constant 0 : i32
      %dma_wait3A_25 = arith.constant 0 : i32
      %dma_wait3A_26 = tpu.memref_slice %arg3[%arg0, %arg1, %dma_wait3A_24, %dma_wait3A_25] : memref<2x16x79x128xi32, #tpu.memory_space<hbm>> -> memref<1x1x79x128xi32, #tpu.memory_space<hbm>>
      %dma_wait3A_27 = tpu.memref_squeeze %dma_wait3A_26 : memref<1x1x79x128xi32, #tpu.memory_space<hbm>> -> memref<79x128xi32, #tpu.memory_space<hbm>>
      tpu.wait_dma2 semaphore(%run_scoped3A : memref<!tpu.dma_semaphore, #tpu.memory_space<semaphore_mem>>) src(%dma_wait3A_27 : memref<79x128xi32, #tpu.memory_space<hbm>>) dst(%arg9 : memref<79x128xi32, #tpu.memory_space<vmem>>)
      tpu.yield
    }) : () -> ()
    "tpu.region"() ({
      %run_scoped3A = tpu.sem_alloc : memref<!tpu.dma_semaphore, #tpu.memory_space<semaphore_mem>>
      %dma_start3A = arith.constant 0 : i32
      %dma_start3A_14 = arith.constant 0 : i32
      %dma_start3A_15 = tpu.memref_slice %arg4[%arg1, %dma_start3A, %dma_start3A_14] : memref<16x79x128xi32, #tpu.memory_space<hbm>> -> memref<1x79x128xi32, #tpu.memory_space<hbm>>
      %dma_start3A_16 = tpu.memref_squeeze %dma_start3A_15 : memref<1x79x128xi32, #tpu.memory_space<hbm>> -> memref<79x128xi32, #tpu.memory_space<hbm>>
      %dma_start3A_17 = arith.constant 0 : i32
      %dma_start3A_18 = arith.constant 0 : i32
      %dma_start3A_19 = tpu.memref_slice %arg4[%arg1, %dma_start3A_17, %dma_start3A_18] : memref<16x79x128xi32, #tpu.memory_space<hbm>> -> memref<1x79x128xi32, #tpu.memory_space<hbm>>
      %dma_start3A_20 = tpu.memref_squeeze %dma_start3A_19 : memref<1x79x128xi32, #tpu.memory_space<hbm>> -> memref<79x128xi32, #tpu.memory_space<hbm>>
      tpu.enqueue_dma source(%dma_start3A_20 : memref<79x128xi32, #tpu.memory_space<hbm>>) target(%arg10 : memref<79x128xi32, #tpu.memory_space<vmem>>) target_semaphore(%run_scoped3A : memref<!tpu.dma_semaphore, #tpu.memory_space<semaphore_mem>>)
      %dma_wait3A = arith.constant 0 : i32
      %dma_wait3A_21 = arith.constant 0 : i32
      %dma_wait3A_22 = tpu.memref_slice %arg4[%arg1, %dma_wait3A, %dma_wait3A_21] : memref<16x79x128xi32, #tpu.memory_space<hbm>> -> memref<1x79x128xi32, #tpu.memory_space<hbm>>
      %dma_wait3A_23 = tpu.memref_squeeze %dma_wait3A_22 : memref<1x79x128xi32, #tpu.memory_space<hbm>> -> memref<79x128xi32, #tpu.memory_space<hbm>>
      %dma_wait3A_24 = arith.constant 0 : i32
      %dma_wait3A_25 = arith.constant 0 : i32
      %dma_wait3A_26 = tpu.memref_slice %arg4[%arg1, %dma_wait3A_24, %dma_wait3A_25] : memref<16x79x128xi32, #tpu.memory_space<hbm>> -> memref<1x79x128xi32, #tpu.memory_space<hbm>>
      %dma_wait3A_27 = tpu.memref_squeeze %dma_wait3A_26 : memref<1x79x128xi32, #tpu.memory_space<hbm>> -> memref<79x128xi32, #tpu.memory_space<hbm>>
      tpu.wait_dma2 semaphore(%run_scoped3A : memref<!tpu.dma_semaphore, #tpu.memory_space<semaphore_mem>>) src(%dma_wait3A_27 : memref<79x128xi32, #tpu.memory_space<hbm>>) dst(%arg10 : memref<79x128xi32, #tpu.memory_space<vmem>>)
      tpu.yield
    }) : () -> ()
    %barrier3A = arith.constant 0 : index
    tpu.barrier barrier_id(%barrier3A)
    %scan3A = arith.constant 0 : i32
    %scan3A_1 = arith.constant 0 : i32
    %scan3A_2 = arith.constant 79 : i32
    %scan3A_3 = arith.addi %scan3A_1, %scan3A_2 : i32
    %scan3A_4 = arith.constant 1 : i32
    %scan3A_5 = scf.for %scan3A_14 = %scan3A_1 to %scan3A_3 step %scan3A_4 iter_args(%scan3A_15 = %scan3A) -> (i32)  : i32 {
      %dma_start3A = arith.constant 0 : i32
      %dma_start3A_16 = tpu.memref_slice %arg9[%scan3A_14, %dma_start3A] : memref<79x128xi32, #tpu.memory_space<vmem>> -> memref<1x128xi32, #tpu.memory_space<vmem>>
      %dma_start3A_17 = tpu.memref_squeeze %dma_start3A_16 : memref<1x128xi32, #tpu.memory_space<vmem>> -> memref<128xi32, #tpu.memory_space<vmem>>
      %dma_start3A_18 = arith.constant 0 : i32
      %dma_start3A_19 = arith.constant 0 : i32
      %dma_start3A_20 = tpu.memref_slice %arg2[%dma_start3A_18, %dma_start3A_19] : memref<20000x128xf32, #tpu.memory_space<hbm>> -> memref<20000x128xf32, #tpu.memory_space<hbm>>
      tpu.enqueue_indirect_dma source(%dma_start3A_20 : memref<20000x128xf32, #tpu.memory_space<hbm>>) target(%arg11 : memref<128x128xf32, #tpu.memory_space<vmem>>) offsets(%dma_start3A_17 : memref<128xi32, #tpu.memory_space<vmem>>) semaphore(%arg15 : memref<!tpu.dma_semaphore, #tpu.memory_space<semaphore_mem>>)
      %dma_wait3A = arith.constant 0 : i32
      %dma_wait3A_21 = tpu.memref_slice %arg9[%scan3A_14, %dma_wait3A] : memref<79x128xi32, #tpu.memory_space<vmem>> -> memref<1x128xi32, #tpu.memory_space<vmem>>
      %dma_wait3A_22 = tpu.memref_squeeze %dma_wait3A_21 : memref<1x128xi32, #tpu.memory_space<vmem>> -> memref<128xi32, #tpu.memory_space<vmem>>
      %dma_wait3A_23 = arith.constant 0 : i32
      %dma_wait3A_24 = arith.constant 0 : i32
      %dma_wait3A_25 = tpu.memref_slice %arg2[%dma_wait3A_23, %dma_wait3A_24] : memref<20000x128xf32, #tpu.memory_space<hbm>> -> memref<20000x128xf32, #tpu.memory_space<hbm>>
      tpu.wait_indirect_dma semaphore(%arg15 : memref<!tpu.dma_semaphore, #tpu.memory_space<semaphore_mem>>) src(%dma_wait3A_25 : memref<20000x128xf32, #tpu.memory_space<hbm>>) dst(%arg11 : memref<128x128xf32, #tpu.memory_space<vmem>>)
      "tpu.region"() ({
        %run_scoped3A = tpu.sem_alloc : memref<!tpu.dma_semaphore, #tpu.memory_space<semaphore_mem>>
        %dma_start3A_27 = arith.constant 0 : i32
        %dma_start3A_28 = tpu.memref_slice %arg10[%scan3A_14, %dma_start3A_27] : memref<79x128xi32, #tpu.memory_space<vmem>> -> memref<1x128xi32, #tpu.memory_space<vmem>>
        %dma_start3A_29 = tpu.memref_squeeze %dma_start3A_28 : memref<1x128xi32, #tpu.memory_space<vmem>> -> memref<128xi32, #tpu.memory_space<vmem>>
        %dma_start3A_30 = arith.constant 0 : i32
        %dma_start3A_31 = arith.constant 0 : i32
        %dma_start3A_32 = tpu.memref_slice %arg13[%dma_start3A_30, %dma_start3A_31] : memref<10240x128xf32, #tpu.memory_space<vmem_shared>> -> memref<10240x128xf32, #tpu.memory_space<vmem_shared>>
        tpu.enqueue_indirect_dma source(%arg11 : memref<128x128xf32, #tpu.memory_space<vmem>>) target(%dma_start3A_32 : memref<10240x128xf32, #tpu.memory_space<vmem_shared>>) offsets(%dma_start3A_29 : memref<128xi32, #tpu.memory_space<vmem>>) semaphore(%run_scoped3A : memref<!tpu.dma_semaphore, #tpu.memory_space<semaphore_mem>>) {add = true}
        %dma_wait3A_33 = arith.constant 0 : i32
        %dma_wait3A_34 = tpu.memref_slice %arg10[%scan3A_14, %dma_wait3A_33] : memref<79x128xi32, #tpu.memory_space<vmem>> -> memref<1x128xi32, #tpu.memory_space<vmem>>
        %dma_wait3A_35 = tpu.memref_squeeze %dma_wait3A_34 : memref<1x128xi32, #tpu.memory_space<vmem>> -> memref<128xi32, #tpu.memory_space<vmem>>
        %dma_wait3A_36 = arith.constant 0 : i32
        %dma_wait3A_37 = arith.constant 0 : i32
        %dma_wait3A_38 = tpu.memref_slice %arg13[%dma_wait3A_36, %dma_wait3A_37] : memref<10240x128xf32, #tpu.memory_space<vmem_shared>> -> memref<10240x128xf32, #tpu.memory_space<vmem_shared>>
        tpu.wait_indirect_dma semaphore(%run_scoped3A : memref<!tpu.dma_semaphore, #tpu.memory_space<semaphore_mem>>) src(%arg11 : memref<128x128xf32, #tpu.memory_space<vmem>>) dst(%dma_wait3A_38 : memref<10240x128xf32, #tpu.memory_space<vmem_shared>>)
        tpu.yield
      }) : () -> ()
      %scan3A_26 = arith.constant 0 : i32
      scf.yield %scan3A_26 : i32
    }
    %scan3A_6 = arith.constant 79 : i32
    %barrier3A_7 = arith.constant 0 : index
    tpu.barrier barrier_id(%barrier3A_7)
    %lt3A = arith.constant 15 : i32
    %lt3A_8 = arith.cmpi slt, %arg1, %lt3A : i32
    %convert_element_type3A = arith.extui %lt3A_8 : i1 to i32
    %cond3A = arith.constant 0 : i32
    %cond3A_9 = arith.cmpi ne, %convert_element_type3A, %cond3A : i32
    scf.if %cond3A_9 {
      %mul3A_14 = arith.constant 640 : i32
      %mul3A_15 = arith.muli %arg1, %mul3A_14 : i32
      %mul3A_16 = arith.constant 640 : i32
      %mul3A_17 = arith.muli %arg1, %mul3A_16 : i32
      %mul3A_18 = arith.constant 128 : i32
      %mul3A_19 = arith.muli %arg0, %mul3A_18 : i32
      "tpu.region"() ({
        %run_scoped3A = tpu.sem_alloc : memref<!tpu.dma_semaphore, #tpu.memory_space<semaphore_mem>>
        %dma_start3A = tpu.memref_slice %arg8[%mul3A_17, %mul3A_19] : memref<10000x256xf32, #tpu.memory_space<hbm>> -> memref<640x128xf32, #tpu.memory_space<hbm>>
        %dma_start3A_20 = arith.constant 0 : i32
        %dma_start3A_21 = tpu.memref_slice %arg13[%mul3A_15, %dma_start3A_20] : memref<10240x128xf32, #tpu.memory_space<vmem_shared>> -> memref<640x128xf32, #tpu.memory_space<vmem_shared>>
        tpu.enqueue_dma source(%dma_start3A_21 : memref<640x128xf32, #tpu.memory_space<vmem_shared>>) target(%dma_start3A : memref<640x128xf32, #tpu.memory_space<hbm>>) target_semaphore(%run_scoped3A : memref<!tpu.dma_semaphore, #tpu.memory_space<semaphore_mem>>)
        %dma_wait3A = tpu.memref_slice %arg8[%mul3A_17, %mul3A_19] : memref<10000x256xf32, #tpu.memory_space<hbm>> -> memref<640x128xf32, #tpu.memory_space<hbm>>
        %dma_wait3A_22 = arith.constant 0 : i32
        %dma_wait3A_23 = tpu.memref_slice %arg13[%mul3A_15, %dma_wait3A_22] : memref<10240x128xf32, #tpu.memory_space<vmem_shared>> -> memref<640x128xf32, #tpu.memory_space<vmem_shared>>
        tpu.wait_dma2 semaphore(%run_scoped3A : memref<!tpu.dma_semaphore, #tpu.memory_space<semaphore_mem>>) src(%dma_wait3A_23 : memref<640x128xf32, #tpu.memory_space<vmem_shared>>) dst(%dma_wait3A : memref<640x128xf32, #tpu.memory_space<hbm>>)
        tpu.yield
      }) : () -> ()
    } else {
    }
    %eq3A = arith.constant 15 : i32
    %eq3A_10 = arith.cmpi eq, %arg1, %eq3A : i32
    %convert_element_type3A_11 = arith.extui %eq3A_10 : i1 to i32
    %cond3A_12 = arith.constant 0 : i32
    %cond3A_13 = arith.cmpi ne, %convert_element_type3A_11, %cond3A_12 : i32
    scf.if %cond3A_13 {
      %mul3A_14 = arith.constant 128 : i32
      %mul3A_15 = arith.muli %arg0, %mul3A_14 : i32
      "tpu.region"() ({
        %run_scoped3A = tpu.sem_alloc : memref<!tpu.dma_semaphore, #tpu.memory_space<semaphore_mem>>
        %dma_start3A = arith.constant 9600 : i32
        %dma_start3A_16 = tpu.memref_slice %arg8[%dma_start3A, %mul3A_15] : memref<10000x256xf32, #tpu.memory_space<hbm>> -> memref<400x128xf32, #tpu.memory_space<hbm>>
        %dma_start3A_17 = arith.constant 9600 : i32
        %dma_start3A_18 = arith.constant 0 : i32
        %dma_start3A_19 = tpu.memref_slice %arg13[%dma_start3A_17, %dma_start3A_18] : memref<10240x128xf32, #tpu.memory_space<vmem_shared>> -> memref<400x128xf32, #tpu.memory_space<vmem_shared>>
        tpu.enqueue_dma source(%dma_start3A_19 : memref<400x128xf32, #tpu.memory_space<vmem_shared>>) target(%dma_start3A_16 : memref<400x128xf32, #tpu.memory_space<hbm>>) target_semaphore(%run_scoped3A : memref<!tpu.dma_semaphore, #tpu.memory_space<semaphore_mem>>)
        %dma_wait3A = arith.constant 9600 : i32
        %dma_wait3A_20 = tpu.memref_slice %arg8[%dma_wait3A, %mul3A_15] : memref<10000x256xf32, #tpu.memory_space<hbm>> -> memref<400x128xf32, #tpu.memory_space<hbm>>
        %dma_wait3A_21 = arith.constant 9600 : i32
        %dma_wait3A_22 = arith.constant 0 : i32
        %dma_wait3A_23 = tpu.memref_slice %arg13[%dma_wait3A_21, %dma_wait3A_22] : memref<10240x128xf32, #tpu.memory_space<vmem_shared>> -> memref<400x128xf32, #tpu.memory_space<vmem_shared>>
        tpu.wait_dma2 semaphore(%run_scoped3A : memref<!tpu.dma_semaphore, #tpu.memory_space<semaphore_mem>>) src(%dma_wait3A_23 : memref<400x128xf32, #tpu.memory_space<vmem_shared>>) dst(%dma_wait3A_20 : memref<400x128xf32, #tpu.memory_space<hbm>>)
        tpu.yield
      }) : () -> ()
    } else {
    }
    return
  }
}

#map = affine_map<(d0, d1) -> (0, 0)>
#map1 = affine_map<(d0, d1) -> (0, 0, 0, 0)>
#map2 = affine_map<(d0, d1) -> (0, 0, 0)>
#map3 = affine_map<(d0, d1) -> (0)>
module attributes {stable_mosaic.version = 14 : i64} {
  func.func @sc_agg(%arg0: i32, %arg1: i32, %arg2: memref<20000x128xf32, #tpu.memory_space<hbm>>, %arg3: memref<2x16x79x128xi32, #tpu.memory_space<hbm>>, %arg4: memref<16x79x128xi32, #tpu.memory_space<hbm>>, %arg5: memref<640x128xf32, #tpu.memory_space<hbm>>, %arg6: memref<640xf32, #tpu.memory_space<hbm>>, %arg7: memref<128xf32, #tpu.memory_space<hbm>>, %arg8: memref<10000x256xf32, #tpu.memory_space<hbm>>, %arg9: memref<10240xf32, #tpu.memory_space<hbm>>, %arg10: memref<79x128xi32, #tpu.memory_space<vmem>>, %arg11: memref<79x128xi32, #tpu.memory_space<vmem>>, %arg12: memref<128x128xf32, #tpu.memory_space<vmem>>, %arg13: memref<128xf32, #tpu.memory_space<vmem>>, %arg14: memref<10240x128xf32, #tpu.memory_space<vmem_shared>>, %arg15: memref<10240xf32, #tpu.memory_space<vmem_shared>>, %arg16: memref<!tpu.dma_semaphore, #tpu.memory_space<semaphore_mem>>) attributes {dimension_semantics = [#tpu.dimension_semantics<core_parallel>, #tpu.dimension_semantics<subcore_parallel>], iteration_bounds = array<i64: 2, 16>, scalar_prefetch = 0 : i64, scratch_operands = 7 : i64, tpu.core_type = #tpu.core_type<sc_vector_subcore>, window_params = [{transform_indices = #map}, {transform_indices = #map1}, {transform_indices = #map2}, {transform_indices = #map}, {transform_indices = #map3}, {transform_indices = #map3}, {transform_indices = #map}, {transform_indices = #map3}]} {
    %mul3A = arith.constant 640 : i32
    %mul3A_0 = arith.muli %arg1, %mul3A : i32
    "tpu.region"() ({
      %run_scoped3A = tpu.sem_alloc : memref<!tpu.dma_semaphore, #tpu.memory_space<semaphore_mem>>
      %dma_start3A = arith.constant 0 : i32
      %dma_start3A_24 = tpu.memref_slice %arg14[%mul3A_0, %dma_start3A] : memref<10240x128xf32, #tpu.memory_space<vmem_shared>> -> memref<640x128xf32, #tpu.memory_space<vmem_shared>>
      tpu.enqueue_dma source(%arg5 : memref<640x128xf32, #tpu.memory_space<hbm>>) target(%dma_start3A_24 : memref<640x128xf32, #tpu.memory_space<vmem_shared>>) target_semaphore(%run_scoped3A : memref<!tpu.dma_semaphore, #tpu.memory_space<semaphore_mem>>)
      %dma_wait3A = arith.constant 0 : i32
      %dma_wait3A_25 = tpu.memref_slice %arg14[%mul3A_0, %dma_wait3A] : memref<10240x128xf32, #tpu.memory_space<vmem_shared>> -> memref<640x128xf32, #tpu.memory_space<vmem_shared>>
      tpu.wait_dma2 semaphore(%run_scoped3A : memref<!tpu.dma_semaphore, #tpu.memory_space<semaphore_mem>>) src(%arg5 : memref<640x128xf32, #tpu.memory_space<hbm>>) dst(%dma_wait3A_25 : memref<640x128xf32, #tpu.memory_space<vmem_shared>>)
      tpu.yield
    }) : () -> ()
    %eq3A = arith.constant 0 : i32
    %eq3A_1 = arith.cmpi eq, %arg0, %eq3A : i32
    %convert_element_type3A = arith.extui %eq3A_1 : i1 to i32
    %cond3A = arith.constant 0 : i32
    %cond3A_2 = arith.cmpi ne, %convert_element_type3A, %cond3A : i32
    scf.if %cond3A_2 {
      %mul3A_24 = arith.constant 640 : i32
      %mul3A_25 = arith.muli %arg1, %mul3A_24 : i32
      "tpu.region"() ({
        %run_scoped3A = tpu.sem_alloc : memref<!tpu.dma_semaphore, #tpu.memory_space<semaphore_mem>>
        %dma_start3A = tpu.memref_slice %arg15[%mul3A_25] : memref<10240xf32, #tpu.memory_space<vmem_shared>> -> memref<640xf32, #tpu.memory_space<vmem_shared>>
        tpu.enqueue_dma source(%arg6 : memref<640xf32, #tpu.memory_space<hbm>>) target(%dma_start3A : memref<640xf32, #tpu.memory_space<vmem_shared>>) target_semaphore(%run_scoped3A : memref<!tpu.dma_semaphore, #tpu.memory_space<semaphore_mem>>)
        %dma_wait3A = tpu.memref_slice %arg15[%mul3A_25] : memref<10240xf32, #tpu.memory_space<vmem_shared>> -> memref<640xf32, #tpu.memory_space<vmem_shared>>
        tpu.wait_dma2 semaphore(%run_scoped3A : memref<!tpu.dma_semaphore, #tpu.memory_space<semaphore_mem>>) src(%arg6 : memref<640xf32, #tpu.memory_space<hbm>>) dst(%dma_wait3A : memref<640xf32, #tpu.memory_space<vmem_shared>>)
        tpu.yield
      }) : () -> ()
      "tpu.region"() ({
        %run_scoped3A = tpu.sem_alloc : memref<!tpu.dma_semaphore, #tpu.memory_space<semaphore_mem>>
        tpu.enqueue_dma source(%arg7 : memref<128xf32, #tpu.memory_space<hbm>>) target(%arg13 : memref<128xf32, #tpu.memory_space<vmem>>) target_semaphore(%run_scoped3A : memref<!tpu.dma_semaphore, #tpu.memory_space<semaphore_mem>>)
        tpu.wait_dma2 semaphore(%run_scoped3A : memref<!tpu.dma_semaphore, #tpu.memory_space<semaphore_mem>>) src(%arg7 : memref<128xf32, #tpu.memory_space<hbm>>) dst(%arg13 : memref<128xf32, #tpu.memory_space<vmem>>)
        tpu.yield
      }) : () -> ()
    } else {
    }
    "tpu.region"() ({
      %run_scoped3A = tpu.sem_alloc : memref<!tpu.dma_semaphore, #tpu.memory_space<semaphore_mem>>
      %dma_start3A = arith.constant 0 : i32
      %dma_start3A_24 = arith.constant 0 : i32
      %dma_start3A_25 = tpu.memref_slice %arg3[%arg0, %arg1, %dma_start3A, %dma_start3A_24] : memref<2x16x79x128xi32, #tpu.memory_space<hbm>> -> memref<1x1x79x128xi32, #tpu.memory_space<hbm>>
      %dma_start3A_26 = tpu.memref_squeeze %dma_start3A_25 : memref<1x1x79x128xi32, #tpu.memory_space<hbm>> -> memref<79x128xi32, #tpu.memory_space<hbm>>
      %dma_start3A_27 = arith.constant 0 : i32
      %dma_start3A_28 = arith.constant 0 : i32
      %dma_start3A_29 = tpu.memref_slice %arg3[%arg0, %arg1, %dma_start3A_27, %dma_start3A_28] : memref<2x16x79x128xi32, #tpu.memory_space<hbm>> -> memref<1x1x79x128xi32, #tpu.memory_space<hbm>>
      %dma_start3A_30 = tpu.memref_squeeze %dma_start3A_29 : memref<1x1x79x128xi32, #tpu.memory_space<hbm>> -> memref<79x128xi32, #tpu.memory_space<hbm>>
      tpu.enqueue_dma source(%dma_start3A_30 : memref<79x128xi32, #tpu.memory_space<hbm>>) target(%arg10 : memref<79x128xi32, #tpu.memory_space<vmem>>) target_semaphore(%run_scoped3A : memref<!tpu.dma_semaphore, #tpu.memory_space<semaphore_mem>>)
      %dma_wait3A = arith.constant 0 : i32
      %dma_wait3A_31 = arith.constant 0 : i32
      %dma_wait3A_32 = tpu.memref_slice %arg3[%arg0, %arg1, %dma_wait3A, %dma_wait3A_31] : memref<2x16x79x128xi32, #tpu.memory_space<hbm>> -> memref<1x1x79x128xi32, #tpu.memory_space<hbm>>
      %dma_wait3A_33 = tpu.memref_squeeze %dma_wait3A_32 : memref<1x1x79x128xi32, #tpu.memory_space<hbm>> -> memref<79x128xi32, #tpu.memory_space<hbm>>
      %dma_wait3A_34 = arith.constant 0 : i32
      %dma_wait3A_35 = arith.constant 0 : i32
      %dma_wait3A_36 = tpu.memref_slice %arg3[%arg0, %arg1, %dma_wait3A_34, %dma_wait3A_35] : memref<2x16x79x128xi32, #tpu.memory_space<hbm>> -> memref<1x1x79x128xi32, #tpu.memory_space<hbm>>
      %dma_wait3A_37 = tpu.memref_squeeze %dma_wait3A_36 : memref<1x1x79x128xi32, #tpu.memory_space<hbm>> -> memref<79x128xi32, #tpu.memory_space<hbm>>
      tpu.wait_dma2 semaphore(%run_scoped3A : memref<!tpu.dma_semaphore, #tpu.memory_space<semaphore_mem>>) src(%dma_wait3A_37 : memref<79x128xi32, #tpu.memory_space<hbm>>) dst(%arg10 : memref<79x128xi32, #tpu.memory_space<vmem>>)
      tpu.yield
    }) : () -> ()
    "tpu.region"() ({
      %run_scoped3A = tpu.sem_alloc : memref<!tpu.dma_semaphore, #tpu.memory_space<semaphore_mem>>
      %dma_start3A = arith.constant 0 : i32
      %dma_start3A_24 = arith.constant 0 : i32
      %dma_start3A_25 = tpu.memref_slice %arg4[%arg1, %dma_start3A, %dma_start3A_24] : memref<16x79x128xi32, #tpu.memory_space<hbm>> -> memref<1x79x128xi32, #tpu.memory_space<hbm>>
      %dma_start3A_26 = tpu.memref_squeeze %dma_start3A_25 : memref<1x79x128xi32, #tpu.memory_space<hbm>> -> memref<79x128xi32, #tpu.memory_space<hbm>>
      %dma_start3A_27 = arith.constant 0 : i32
      %dma_start3A_28 = arith.constant 0 : i32
      %dma_start3A_29 = tpu.memref_slice %arg4[%arg1, %dma_start3A_27, %dma_start3A_28] : memref<16x79x128xi32, #tpu.memory_space<hbm>> -> memref<1x79x128xi32, #tpu.memory_space<hbm>>
      %dma_start3A_30 = tpu.memref_squeeze %dma_start3A_29 : memref<1x79x128xi32, #tpu.memory_space<hbm>> -> memref<79x128xi32, #tpu.memory_space<hbm>>
      tpu.enqueue_dma source(%dma_start3A_30 : memref<79x128xi32, #tpu.memory_space<hbm>>) target(%arg11 : memref<79x128xi32, #tpu.memory_space<vmem>>) target_semaphore(%run_scoped3A : memref<!tpu.dma_semaphore, #tpu.memory_space<semaphore_mem>>)
      %dma_wait3A = arith.constant 0 : i32
      %dma_wait3A_31 = arith.constant 0 : i32
      %dma_wait3A_32 = tpu.memref_slice %arg4[%arg1, %dma_wait3A, %dma_wait3A_31] : memref<16x79x128xi32, #tpu.memory_space<hbm>> -> memref<1x79x128xi32, #tpu.memory_space<hbm>>
      %dma_wait3A_33 = tpu.memref_squeeze %dma_wait3A_32 : memref<1x79x128xi32, #tpu.memory_space<hbm>> -> memref<79x128xi32, #tpu.memory_space<hbm>>
      %dma_wait3A_34 = arith.constant 0 : i32
      %dma_wait3A_35 = arith.constant 0 : i32
      %dma_wait3A_36 = tpu.memref_slice %arg4[%arg1, %dma_wait3A_34, %dma_wait3A_35] : memref<16x79x128xi32, #tpu.memory_space<hbm>> -> memref<1x79x128xi32, #tpu.memory_space<hbm>>
      %dma_wait3A_37 = tpu.memref_squeeze %dma_wait3A_36 : memref<1x79x128xi32, #tpu.memory_space<hbm>> -> memref<79x128xi32, #tpu.memory_space<hbm>>
      tpu.wait_dma2 semaphore(%run_scoped3A : memref<!tpu.dma_semaphore, #tpu.memory_space<semaphore_mem>>) src(%dma_wait3A_37 : memref<79x128xi32, #tpu.memory_space<hbm>>) dst(%arg11 : memref<79x128xi32, #tpu.memory_space<vmem>>)
      tpu.yield
    }) : () -> ()
    %barrier3A = arith.constant 0 : index
    tpu.barrier barrier_id(%barrier3A)
    %scan3A = arith.constant 0 : i32
    %scan3A_3 = arith.constant 0 : i32
    %scan3A_4 = arith.constant 79 : i32
    %scan3A_5 = arith.addi %scan3A_3, %scan3A_4 : i32
    %scan3A_6 = arith.constant 1 : i32
    %scan3A_7 = scf.for %scan3A_24 = %scan3A_3 to %scan3A_5 step %scan3A_6 iter_args(%scan3A_25 = %scan3A) -> (i32)  : i32 {
      %dma_start3A = arith.constant 0 : i32
      %dma_start3A_26 = tpu.memref_slice %arg10[%scan3A_24, %dma_start3A] : memref<79x128xi32, #tpu.memory_space<vmem>> -> memref<1x128xi32, #tpu.memory_space<vmem>>
      %dma_start3A_27 = tpu.memref_squeeze %dma_start3A_26 : memref<1x128xi32, #tpu.memory_space<vmem>> -> memref<128xi32, #tpu.memory_space<vmem>>
      %dma_start3A_28 = arith.constant 0 : i32
      %dma_start3A_29 = arith.constant 0 : i32
      %dma_start3A_30 = tpu.memref_slice %arg2[%dma_start3A_28, %dma_start3A_29] : memref<20000x128xf32, #tpu.memory_space<hbm>> -> memref<20000x128xf32, #tpu.memory_space<hbm>>
      tpu.enqueue_indirect_dma source(%dma_start3A_30 : memref<20000x128xf32, #tpu.memory_space<hbm>>) target(%arg12 : memref<128x128xf32, #tpu.memory_space<vmem>>) offsets(%dma_start3A_27 : memref<128xi32, #tpu.memory_space<vmem>>) semaphore(%arg16 : memref<!tpu.dma_semaphore, #tpu.memory_space<semaphore_mem>>)
      %dma_wait3A = arith.constant 0 : i32
      %dma_wait3A_31 = tpu.memref_slice %arg10[%scan3A_24, %dma_wait3A] : memref<79x128xi32, #tpu.memory_space<vmem>> -> memref<1x128xi32, #tpu.memory_space<vmem>>
      %dma_wait3A_32 = tpu.memref_squeeze %dma_wait3A_31 : memref<1x128xi32, #tpu.memory_space<vmem>> -> memref<128xi32, #tpu.memory_space<vmem>>
      %dma_wait3A_33 = arith.constant 0 : i32
      %dma_wait3A_34 = arith.constant 0 : i32
      %dma_wait3A_35 = tpu.memref_slice %arg2[%dma_wait3A_33, %dma_wait3A_34] : memref<20000x128xf32, #tpu.memory_space<hbm>> -> memref<20000x128xf32, #tpu.memory_space<hbm>>
      tpu.wait_indirect_dma semaphore(%arg16 : memref<!tpu.dma_semaphore, #tpu.memory_space<semaphore_mem>>) src(%dma_wait3A_35 : memref<20000x128xf32, #tpu.memory_space<hbm>>) dst(%arg12 : memref<128x128xf32, #tpu.memory_space<vmem>>)
      "tpu.region"() ({
        %run_scoped3A = tpu.sem_alloc : memref<!tpu.dma_semaphore, #tpu.memory_space<semaphore_mem>>
        %dma_start3A_42 = arith.constant 0 : i32
        %dma_start3A_43 = tpu.memref_slice %arg11[%scan3A_24, %dma_start3A_42] : memref<79x128xi32, #tpu.memory_space<vmem>> -> memref<1x128xi32, #tpu.memory_space<vmem>>
        %dma_start3A_44 = tpu.memref_squeeze %dma_start3A_43 : memref<1x128xi32, #tpu.memory_space<vmem>> -> memref<128xi32, #tpu.memory_space<vmem>>
        %dma_start3A_45 = arith.constant 0 : i32
        %dma_start3A_46 = arith.constant 0 : i32
        %dma_start3A_47 = tpu.memref_slice %arg14[%dma_start3A_45, %dma_start3A_46] : memref<10240x128xf32, #tpu.memory_space<vmem_shared>> -> memref<10240x128xf32, #tpu.memory_space<vmem_shared>>
        tpu.enqueue_indirect_dma source(%arg12 : memref<128x128xf32, #tpu.memory_space<vmem>>) target(%dma_start3A_47 : memref<10240x128xf32, #tpu.memory_space<vmem_shared>>) offsets(%dma_start3A_44 : memref<128xi32, #tpu.memory_space<vmem>>) semaphore(%run_scoped3A : memref<!tpu.dma_semaphore, #tpu.memory_space<semaphore_mem>>) {add = true}
        %dma_wait3A_48 = arith.constant 0 : i32
        %dma_wait3A_49 = tpu.memref_slice %arg11[%scan3A_24, %dma_wait3A_48] : memref<79x128xi32, #tpu.memory_space<vmem>> -> memref<1x128xi32, #tpu.memory_space<vmem>>
        %dma_wait3A_50 = tpu.memref_squeeze %dma_wait3A_49 : memref<1x128xi32, #tpu.memory_space<vmem>> -> memref<128xi32, #tpu.memory_space<vmem>>
        %dma_wait3A_51 = arith.constant 0 : i32
        %dma_wait3A_52 = arith.constant 0 : i32
        %dma_wait3A_53 = tpu.memref_slice %arg14[%dma_wait3A_51, %dma_wait3A_52] : memref<10240x128xf32, #tpu.memory_space<vmem_shared>> -> memref<10240x128xf32, #tpu.memory_space<vmem_shared>>
        tpu.wait_indirect_dma semaphore(%run_scoped3A : memref<!tpu.dma_semaphore, #tpu.memory_space<semaphore_mem>>) src(%arg12 : memref<128x128xf32, #tpu.memory_space<vmem>>) dst(%dma_wait3A_53 : memref<10240x128xf32, #tpu.memory_space<vmem_shared>>)
        tpu.yield
      }) : () -> ()
      %eq3A_36 = arith.constant 0 : i32
      %eq3A_37 = arith.cmpi eq, %arg0, %eq3A_36 : i32
      %convert_element_type3A_38 = arith.extui %eq3A_37 : i1 to i32
      %cond3A_39 = arith.constant 0 : i32
      %cond3A_40 = arith.cmpi ne, %convert_element_type3A_38, %cond3A_39 : i32
      scf.if %cond3A_40 {
        "tpu.region"() ({
          %run_scoped3A = tpu.sem_alloc : memref<!tpu.dma_semaphore, #tpu.memory_space<semaphore_mem>>
          %dma_start3A_42 = arith.constant 0 : i32
          %dma_start3A_43 = tpu.memref_slice %arg11[%scan3A_24, %dma_start3A_42] : memref<79x128xi32, #tpu.memory_space<vmem>> -> memref<1x128xi32, #tpu.memory_space<vmem>>
          %dma_start3A_44 = tpu.memref_squeeze %dma_start3A_43 : memref<1x128xi32, #tpu.memory_space<vmem>> -> memref<128xi32, #tpu.memory_space<vmem>>
          %dma_start3A_45 = arith.constant 0 : i32
          %dma_start3A_46 = tpu.memref_slice %arg15[%dma_start3A_45] : memref<10240xf32, #tpu.memory_space<vmem_shared>> -> memref<10240xf32, #tpu.memory_space<vmem_shared>>
          tpu.enqueue_indirect_dma source(%arg13 : memref<128xf32, #tpu.memory_space<vmem>>) target(%dma_start3A_46 : memref<10240xf32, #tpu.memory_space<vmem_shared>>) offsets(%dma_start3A_44 : memref<128xi32, #tpu.memory_space<vmem>>) semaphore(%run_scoped3A : memref<!tpu.dma_semaphore, #tpu.memory_space<semaphore_mem>>) {add = true}
          %dma_wait3A_47 = arith.constant 0 : i32
          %dma_wait3A_48 = tpu.memref_slice %arg11[%scan3A_24, %dma_wait3A_47] : memref<79x128xi32, #tpu.memory_space<vmem>> -> memref<1x128xi32, #tpu.memory_space<vmem>>
          %dma_wait3A_49 = tpu.memref_squeeze %dma_wait3A_48 : memref<1x128xi32, #tpu.memory_space<vmem>> -> memref<128xi32, #tpu.memory_space<vmem>>
          %dma_wait3A_50 = arith.constant 0 : i32
          %dma_wait3A_51 = tpu.memref_slice %arg15[%dma_wait3A_50] : memref<10240xf32, #tpu.memory_space<vmem_shared>> -> memref<10240xf32, #tpu.memory_space<vmem_shared>>
          tpu.wait_indirect_dma semaphore(%run_scoped3A : memref<!tpu.dma_semaphore, #tpu.memory_space<semaphore_mem>>) src(%arg13 : memref<128xf32, #tpu.memory_space<vmem>>) dst(%dma_wait3A_51 : memref<10240xf32, #tpu.memory_space<vmem_shared>>)
          tpu.yield
        }) : () -> ()
      } else {
      }
      %scan3A_41 = arith.constant 0 : i32
      scf.yield %scan3A_41 : i32
    }
    %scan3A_8 = arith.constant 79 : i32
    %barrier3A_9 = arith.constant 0 : index
    tpu.barrier barrier_id(%barrier3A_9)
    %lt3A = arith.constant 15 : i32
    %lt3A_10 = arith.cmpi slt, %arg1, %lt3A : i32
    %convert_element_type3A_11 = arith.extui %lt3A_10 : i1 to i32
    %cond3A_12 = arith.constant 0 : i32
    %cond3A_13 = arith.cmpi ne, %convert_element_type3A_11, %cond3A_12 : i32
    scf.if %cond3A_13 {
      %mul3A_24 = arith.constant 640 : i32
      %mul3A_25 = arith.muli %arg1, %mul3A_24 : i32
      %mul3A_26 = arith.constant 640 : i32
      %mul3A_27 = arith.muli %arg1, %mul3A_26 : i32
      %mul3A_28 = arith.constant 128 : i32
      %mul3A_29 = arith.muli %arg0, %mul3A_28 : i32
      "tpu.region"() ({
        %run_scoped3A = tpu.sem_alloc : memref<!tpu.dma_semaphore, #tpu.memory_space<semaphore_mem>>
        %dma_start3A = tpu.memref_slice %arg8[%mul3A_27, %mul3A_29] : memref<10000x256xf32, #tpu.memory_space<hbm>> -> memref<640x128xf32, #tpu.memory_space<hbm>>
        %dma_start3A_30 = arith.constant 0 : i32
        %dma_start3A_31 = tpu.memref_slice %arg14[%mul3A_25, %dma_start3A_30] : memref<10240x128xf32, #tpu.memory_space<vmem_shared>> -> memref<640x128xf32, #tpu.memory_space<vmem_shared>>
        tpu.enqueue_dma source(%dma_start3A_31 : memref<640x128xf32, #tpu.memory_space<vmem_shared>>) target(%dma_start3A : memref<640x128xf32, #tpu.memory_space<hbm>>) target_semaphore(%run_scoped3A : memref<!tpu.dma_semaphore, #tpu.memory_space<semaphore_mem>>)
        %dma_wait3A = tpu.memref_slice %arg8[%mul3A_27, %mul3A_29] : memref<10000x256xf32, #tpu.memory_space<hbm>> -> memref<640x128xf32, #tpu.memory_space<hbm>>
        %dma_wait3A_32 = arith.constant 0 : i32
        %dma_wait3A_33 = tpu.memref_slice %arg14[%mul3A_25, %dma_wait3A_32] : memref<10240x128xf32, #tpu.memory_space<vmem_shared>> -> memref<640x128xf32, #tpu.memory_space<vmem_shared>>
        tpu.wait_dma2 semaphore(%run_scoped3A : memref<!tpu.dma_semaphore, #tpu.memory_space<semaphore_mem>>) src(%dma_wait3A_33 : memref<640x128xf32, #tpu.memory_space<vmem_shared>>) dst(%dma_wait3A : memref<640x128xf32, #tpu.memory_space<hbm>>)
        tpu.yield
      }) : () -> ()
    } else {
    }
    %eq3A_14 = arith.constant 15 : i32
    %eq3A_15 = arith.cmpi eq, %arg1, %eq3A_14 : i32
    %convert_element_type3A_16 = arith.extui %eq3A_15 : i1 to i32
    %cond3A_17 = arith.constant 0 : i32
    %cond3A_18 = arith.cmpi ne, %convert_element_type3A_16, %cond3A_17 : i32
    scf.if %cond3A_18 {
      %mul3A_24 = arith.constant 128 : i32
      %mul3A_25 = arith.muli %arg0, %mul3A_24 : i32
      "tpu.region"() ({
        %run_scoped3A = tpu.sem_alloc : memref<!tpu.dma_semaphore, #tpu.memory_space<semaphore_mem>>
        %dma_start3A = arith.constant 9600 : i32
        %dma_start3A_26 = tpu.memref_slice %arg8[%dma_start3A, %mul3A_25] : memref<10000x256xf32, #tpu.memory_space<hbm>> -> memref<400x128xf32, #tpu.memory_space<hbm>>
        %dma_start3A_27 = arith.constant 9600 : i32
        %dma_start3A_28 = arith.constant 0 : i32
        %dma_start3A_29 = tpu.memref_slice %arg14[%dma_start3A_27, %dma_start3A_28] : memref<10240x128xf32, #tpu.memory_space<vmem_shared>> -> memref<400x128xf32, #tpu.memory_space<vmem_shared>>
        tpu.enqueue_dma source(%dma_start3A_29 : memref<400x128xf32, #tpu.memory_space<vmem_shared>>) target(%dma_start3A_26 : memref<400x128xf32, #tpu.memory_space<hbm>>) target_semaphore(%run_scoped3A : memref<!tpu.dma_semaphore, #tpu.memory_space<semaphore_mem>>)
        %dma_wait3A = arith.constant 9600 : i32
        %dma_wait3A_30 = tpu.memref_slice %arg8[%dma_wait3A, %mul3A_25] : memref<10000x256xf32, #tpu.memory_space<hbm>> -> memref<400x128xf32, #tpu.memory_space<hbm>>
        %dma_wait3A_31 = arith.constant 9600 : i32
        %dma_wait3A_32 = arith.constant 0 : i32
        %dma_wait3A_33 = tpu.memref_slice %arg14[%dma_wait3A_31, %dma_wait3A_32] : memref<10240x128xf32, #tpu.memory_space<vmem_shared>> -> memref<400x128xf32, #tpu.memory_space<vmem_shared>>
        tpu.wait_dma2 semaphore(%run_scoped3A : memref<!tpu.dma_semaphore, #tpu.memory_space<semaphore_mem>>) src(%dma_wait3A_33 : memref<400x128xf32, #tpu.memory_space<vmem_shared>>) dst(%dma_wait3A_30 : memref<400x128xf32, #tpu.memory_space<hbm>>)
        tpu.yield
      }) : () -> ()
    } else {
    }
    %eq3A_19 = arith.constant 0 : i32
    %eq3A_20 = arith.cmpi eq, %arg0, %eq3A_19 : i32
    %convert_element_type3A_21 = arith.extui %eq3A_20 : i1 to i32
    %cond3A_22 = arith.constant 0 : i32
    %cond3A_23 = arith.cmpi ne, %convert_element_type3A_21, %cond3A_22 : i32
    scf.if %cond3A_23 {
      %mul3A_24 = arith.constant 640 : i32
      %mul3A_25 = arith.muli %arg1, %mul3A_24 : i32
      %mul3A_26 = arith.constant 640 : i32
      %mul3A_27 = arith.muli %arg1, %mul3A_26 : i32
      "tpu.region"() ({
        %run_scoped3A = tpu.sem_alloc : memref<!tpu.dma_semaphore, #tpu.memory_space<semaphore_mem>>
        %dma_start3A = tpu.memref_slice %arg9[%mul3A_27] : memref<10240xf32, #tpu.memory_space<hbm>> -> memref<640xf32, #tpu.memory_space<hbm>>
        %dma_start3A_28 = tpu.memref_slice %arg15[%mul3A_25] : memref<10240xf32, #tpu.memory_space<vmem_shared>> -> memref<640xf32, #tpu.memory_space<vmem_shared>>
        tpu.enqueue_dma source(%dma_start3A_28 : memref<640xf32, #tpu.memory_space<vmem_shared>>) target(%dma_start3A : memref<640xf32, #tpu.memory_space<hbm>>) target_semaphore(%run_scoped3A : memref<!tpu.dma_semaphore, #tpu.memory_space<semaphore_mem>>)
        %dma_wait3A = tpu.memref_slice %arg9[%mul3A_27] : memref<10240xf32, #tpu.memory_space<hbm>> -> memref<640xf32, #tpu.memory_space<hbm>>
        %dma_wait3A_29 = tpu.memref_slice %arg15[%mul3A_25] : memref<10240xf32, #tpu.memory_space<vmem_shared>> -> memref<640xf32, #tpu.memory_space<vmem_shared>>
        tpu.wait_dma2 semaphore(%run_scoped3A : memref<!tpu.dma_semaphore, #tpu.memory_space<semaphore_mem>>) src(%dma_wait3A_29 : memref<640xf32, #tpu.memory_space<vmem_shared>>) dst(%dma_wait3A : memref<640xf32, #tpu.memory_space<hbm>>)
        tpu.yield
      }) : () -> ()
    } else {
    }
    return
  }
}

module attributes {stable_mosaic.version = 14 : i64} {
  func.func @_tc_layer_body(%arg0: i32, %arg1: memref<1000x256xf32, #tpu.memory_space<vmem>>, %arg2: memref<1000x1xf32, #tpu.memory_space<vmem>>, %arg3: memref<1000x256xf32, #tpu.memory_space<vmem>>, %arg4: memref<256x256xf32, #tpu.memory_space<vmem>>, %arg5: memref<1x256xf32, #tpu.memory_space<vmem>>, %arg6: memref<256x256xf32, #tpu.memory_space<vmem>>, %arg7: memref<1000x256xf32, #tpu.memory_space<vmem>>) attributes {dimension_semantics = [#tpu.dimension_semantics<arbitrary>], iteration_bounds = array<i64: 10>, scalar_prefetch = 0 : i64, scratch_operands = 0 : i64, tpu.core_type = #tpu.core_type<tc>, window_params = [{transform_indices = @transform_0, window_bounds = array<i64: 1000, 256>}, {transform_indices = @transform_1, window_bounds = array<i64: 1000, 1>}, {transform_indices = @transform_2, window_bounds = array<i64: 1000, 256>}, {pipeline_mode = #tpu.pipeline_mode<synchronous>, transform_indices = @transform_3, window_bounds = array<i64: 256, 256>}, {pipeline_mode = #tpu.pipeline_mode<synchronous>, transform_indices = @transform_4, window_bounds = array<i64: 1, 256>}, {pipeline_mode = #tpu.pipeline_mode<synchronous>, transform_indices = @transform_5, window_bounds = array<i64: 256, 256>}, {transform_indices = @transform_6, window_bounds = array<i64: 1000, 256>}]} {
    %get3A = arith.constant 0 : index
    %get3A_0 = arith.constant 0 : index
    %get3A_1 = vector.load %arg2[%get3A, %get3A_0] : memref<1000x1xf32, #tpu.memory_space<vmem>>, vector<1000x1xf32>
    %max3A = arith.constant 1.000000e+00 : f32
    %max3A_2 = vector.broadcast %max3A : f32 to vector<1000x1xf32>
    %max3A_3 = arith.maximumf %get3A_1, %max3A_2 : vector<1000x1xf32>
    %div3A = arith.constant 1.000000e+00 : f32
    %div3A_4 = vector.broadcast %div3A : f32 to vector<1000x1xf32>
    %div3A_5 = arith.divf %div3A_4, %max3A_3 : vector<1000x1xf32>
    %get3A_6 = arith.constant 0 : index
    %get3A_7 = arith.constant 0 : index
    %get3A_8 = vector.load %arg1[%get3A_6, %get3A_7] : memref<1000x256xf32, #tpu.memory_space<vmem>>, vector<1000x256xf32>
    %mul3A = vector.broadcast %div3A_5 : vector<1000x1xf32> to vector<1000x256xf32>
    %mul3A_9 = arith.mulf %get3A_8, %mul3A : vector<1000x256xf32>
    %get3A_10 = arith.constant 0 : index
    %get3A_11 = arith.constant 0 : index
    %get3A_12 = vector.load %arg4[%get3A_10, %get3A_11] : memref<256x256xf32, #tpu.memory_space<vmem>>, vector<256x256xf32>
    %dot_general3A = arith.constant dense<0.000000e+00> : vector<1000x256xf32>
    %dot_general3A_13 = tpu.matmul %mul3A_9, %get3A_12, %dot_general3A {dimension_numbers = #tpu.dot_dimension_numbers<[1], [1], [0], [0], [0, 0, 1, 0], [], []>, transpose_lhs_hint = false} : vector<1000x256xf32>, vector<256x256xf32>, vector<1000x256xf32> -> vector<1000x256xf32>
    %get3A_14 = arith.constant 0 : index
    %get3A_15 = arith.constant 0 : index
    %get3A_16 = vector.load %arg3[%get3A_14, %get3A_15] : memref<1000x256xf32, #tpu.memory_space<vmem>>, vector<1000x256xf32>
    %get3A_17 = arith.constant 0 : index
    %get3A_18 = arith.constant 0 : index
    %get3A_19 = vector.load %arg6[%get3A_17, %get3A_18] : memref<256x256xf32, #tpu.memory_space<vmem>>, vector<256x256xf32>
    %dot_general3A_20 = arith.constant dense<0.000000e+00> : vector<1000x256xf32>
    %dot_general3A_21 = tpu.matmul %get3A_16, %get3A_19, %dot_general3A_20 {dimension_numbers = #tpu.dot_dimension_numbers<[1], [1], [0], [0], [0, 0, 1, 0], [], []>, transpose_lhs_hint = false} : vector<1000x256xf32>, vector<256x256xf32>, vector<1000x256xf32> -> vector<1000x256xf32>
    %add3A = arith.addf %dot_general3A_13, %dot_general3A_21 : vector<1000x256xf32>
    %get3A_22 = arith.constant 0 : index
    %get3A_23 = arith.constant 0 : index
    %get3A_24 = vector.load %arg5[%get3A_22, %get3A_23] : memref<1x256xf32, #tpu.memory_space<vmem>>, vector<1x256xf32>
    %add3A_25 = vector.broadcast %get3A_24 : vector<1x256xf32> to vector<1000x256xf32>
    %add3A_26 = arith.addf %add3A, %add3A_25 : vector<1000x256xf32>
    %max3A_27 = arith.constant 0.000000e+00 : f32
    %max3A_28 = vector.broadcast %max3A_27 : f32 to vector<1000x256xf32>
    %max3A_29 = arith.maximumf %add3A_26, %max3A_28 : vector<1000x256xf32>
    %swap3A = arith.constant 0 : index
    %swap3A_30 = arith.constant 0 : index
    %swap3A_31 = vector.load %arg7[%swap3A, %swap3A_30] : memref<1000x256xf32, #tpu.memory_space<vmem>>, vector<1000x256xf32>
    tpu.vector_store %arg7[%swap3A, %swap3A_30], %max3A_29 {strides = array<i32>} : memref<1000x256xf32, #tpu.memory_space<vmem>>, vector<1000x256xf32>,
    return
  }
  func.func @transform_0(%arg0: i32) -> (i32, i32) {
    %c0_i32 = arith.constant 0 : i32
    %c0_i32_0 = arith.constant 0 : i32
    return %arg0, %c0_i32 : i32, i32
  }
  func.func @transform_1(%arg0: i32) -> (i32, i32) {
    %c0_i32 = arith.constant 0 : i32
    %c0_i32_0 = arith.constant 0 : i32
    return %arg0, %c0_i32 : i32, i32
  }
  func.func @transform_2(%arg0: i32) -> (i32, i32) {
    %c0_i32 = arith.constant 0 : i32
    %c0_i32_0 = arith.constant 0 : i32
    return %arg0, %c0_i32 : i32, i32
  }
  func.func @transform_3(%arg0: i32) -> (i32, i32) {
    %c0_i32 = arith.constant 0 : i32
    %c0_i32_0 = arith.constant 0 : i32
    %c0_i32_1 = arith.constant 0 : i32
    return %c0_i32, %c0_i32_0 : i32, i32
  }
  func.func @transform_4(%arg0: i32) -> (i32, i32) {
    %c0_i32 = arith.constant 0 : i32
    %c0_i32_0 = arith.constant 0 : i32
    %c0_i32_1 = arith.constant 0 : i32
    return %c0_i32, %c0_i32_0 : i32, i32
  }
  func.func @transform_5(%arg0: i32) -> (i32, i32) {
    %c0_i32 = arith.constant 0 : i32
    %c0_i32_0 = arith.constant 0 : i32
    %c0_i32_1 = arith.constant 0 : i32
    return %c0_i32, %c0_i32_0 : i32, i32
  }
  func.func @transform_6(%arg0: i32) -> (i32, i32) {
    %c0_i32 = arith.constant 0 : i32
    %c0_i32_0 = arith.constant 0 : i32
    return %arg0, %c0_i32 : i32, i32
  }
}

module attributes {stable_mosaic.version = 14 : i64} {
  func.func @_tc_final_body(%arg0: i32, %arg1: memref<1000x256xf32, #tpu.memory_space<vmem>>, %arg2: memref<1000x1xf32, #tpu.memory_space<vmem>>, %arg3: memref<1000x256xf32, #tpu.memory_space<vmem>>, %arg4: memref<256x256xf32, #tpu.memory_space<vmem>>, %arg5: memref<1x256xf32, #tpu.memory_space<vmem>>, %arg6: memref<256x256xf32, #tpu.memory_space<vmem>>, %arg7: memref<256x256xf32, #tpu.memory_space<vmem>>, %arg8: memref<1x256xf32, #tpu.memory_space<vmem>>, %arg9: memref<256x256xf32, #tpu.memory_space<vmem>>, %arg10: memref<1x256xf32, #tpu.memory_space<vmem>>, %arg11: memref<1000x256xf32, #tpu.memory_space<vmem>>) attributes {dimension_semantics = [#tpu.dimension_semantics<arbitrary>], iteration_bounds = array<i64: 10>, scalar_prefetch = 0 : i64, scratch_operands = 0 : i64, tpu.core_type = #tpu.core_type<tc>, window_params = [{transform_indices = @transform_0, window_bounds = array<i64: 1000, 256>}, {transform_indices = @transform_1, window_bounds = array<i64: 1000, 1>}, {transform_indices = @transform_2, window_bounds = array<i64: 1000, 256>}, {pipeline_mode = #tpu.pipeline_mode<synchronous>, transform_indices = @transform_3, window_bounds = array<i64: 256, 256>}, {pipeline_mode = #tpu.pipeline_mode<synchronous>, transform_indices = @transform_4, window_bounds = array<i64: 1, 256>}, {pipeline_mode = #tpu.pipeline_mode<synchronous>, transform_indices = @transform_5, window_bounds = array<i64: 256, 256>}, {pipeline_mode = #tpu.pipeline_mode<synchronous>, transform_indices = @transform_6, window_bounds = array<i64: 256, 256>}, {pipeline_mode = #tpu.pipeline_mode<synchronous>, transform_indices = @transform_7, window_bounds = array<i64: 1, 256>}, {pipeline_mode = #tpu.pipeline_mode<synchronous>, transform_indices = @transform_8, window_bounds = array<i64: 256, 256>}, {pipeline_mode = #tpu.pipeline_mode<synchronous>, transform_indices = @transform_9, window_bounds = array<i64: 1, 256>}, {transform_indices = @transform_10, window_bounds = array<i64: 1000, 256>}]} {
    %get3A = arith.constant 0 : index
    %get3A_0 = arith.constant 0 : index
    %get3A_1 = vector.load %arg2[%get3A, %get3A_0] : memref<1000x1xf32, #tpu.memory_space<vmem>>, vector<1000x1xf32>
    %max3A = arith.constant 1.000000e+00 : f32
    %max3A_2 = vector.broadcast %max3A : f32 to vector<1000x1xf32>
    %max3A_3 = arith.maximumf %get3A_1, %max3A_2 : vector<1000x1xf32>
    %div3A = arith.constant 1.000000e+00 : f32
    %div3A_4 = vector.broadcast %div3A : f32 to vector<1000x1xf32>
    %div3A_5 = arith.divf %div3A_4, %max3A_3 : vector<1000x1xf32>
    %get3A_6 = arith.constant 0 : index
    %get3A_7 = arith.constant 0 : index
    %get3A_8 = vector.load %arg1[%get3A_6, %get3A_7] : memref<1000x256xf32, #tpu.memory_space<vmem>>, vector<1000x256xf32>
    %mul3A = vector.broadcast %div3A_5 : vector<1000x1xf32> to vector<1000x256xf32>
    %mul3A_9 = arith.mulf %get3A_8, %mul3A : vector<1000x256xf32>
    %get3A_10 = arith.constant 0 : index
    %get3A_11 = arith.constant 0 : index
    %get3A_12 = vector.load %arg4[%get3A_10, %get3A_11] : memref<256x256xf32, #tpu.memory_space<vmem>>, vector<256x256xf32>
    %dot_general3A = arith.constant dense<0.000000e+00> : vector<1000x256xf32>
    %dot_general3A_13 = tpu.matmul %mul3A_9, %get3A_12, %dot_general3A {dimension_numbers = #tpu.dot_dimension_numbers<[1], [1], [0], [0], [0, 0, 1, 0], [], []>, transpose_lhs_hint = false} : vector<1000x256xf32>, vector<256x256xf32>, vector<1000x256xf32> -> vector<1000x256xf32>
    %get3A_14 = arith.constant 0 : index
    %get3A_15 = arith.constant 0 : index
    %get3A_16 = vector.load %arg3[%get3A_14, %get3A_15] : memref<1000x256xf32, #tpu.memory_space<vmem>>, vector<1000x256xf32>
    %get3A_17 = arith.constant 0 : index
    %get3A_18 = arith.constant 0 : index
    %get3A_19 = vector.load %arg6[%get3A_17, %get3A_18] : memref<256x256xf32, #tpu.memory_space<vmem>>, vector<256x256xf32>
    %dot_general3A_20 = arith.constant dense<0.000000e+00> : vector<1000x256xf32>
    %dot_general3A_21 = tpu.matmul %get3A_16, %get3A_19, %dot_general3A_20 {dimension_numbers = #tpu.dot_dimension_numbers<[1], [1], [0], [0], [0, 0, 1, 0], [], []>, transpose_lhs_hint = false} : vector<1000x256xf32>, vector<256x256xf32>, vector<1000x256xf32> -> vector<1000x256xf32>
    %add3A = arith.addf %dot_general3A_13, %dot_general3A_21 : vector<1000x256xf32>
    %get3A_22 = arith.constant 0 : index
    %get3A_23 = arith.constant 0 : index
    %get3A_24 = vector.load %arg5[%get3A_22, %get3A_23] : memref<1x256xf32, #tpu.memory_space<vmem>>, vector<1x256xf32>
    %add3A_25 = vector.broadcast %get3A_24 : vector<1x256xf32> to vector<1000x256xf32>
    %add3A_26 = arith.addf %add3A, %add3A_25 : vector<1000x256xf32>
    %max3A_27 = arith.constant 0.000000e+00 : f32
    %max3A_28 = vector.broadcast %max3A_27 : f32 to vector<1000x256xf32>
    %max3A_29 = arith.maximumf %add3A_26, %max3A_28 : vector<1000x256xf32>
    %get3A_30 = arith.constant 0 : index
    %get3A_31 = arith.constant 0 : index
    %get3A_32 = vector.load %arg7[%get3A_30, %get3A_31] : memref<256x256xf32, #tpu.memory_space<vmem>>, vector<256x256xf32>
    %dot_general3A_33 = arith.constant dense<0.000000e+00> : vector<1000x256xf32>
    %dot_general3A_34 = tpu.matmul %max3A_29, %get3A_32, %dot_general3A_33 {dimension_numbers = #tpu.dot_dimension_numbers<[1], [1], [0], [0], [0, 0, 1, 0], [], []>, transpose_lhs_hint = false} : vector<1000x256xf32>, vector<256x256xf32>, vector<1000x256xf32> -> vector<1000x256xf32>
    %get3A_35 = arith.constant 0 : index
    %get3A_36 = arith.constant 0 : index
    %get3A_37 = vector.load %arg8[%get3A_35, %get3A_36] : memref<1x256xf32, #tpu.memory_space<vmem>>, vector<1x256xf32>
    %add3A_38 = vector.broadcast %get3A_37 : vector<1x256xf32> to vector<1000x256xf32>
    %add3A_39 = arith.addf %dot_general3A_34, %add3A_38 : vector<1000x256xf32>
    %get3A_40 = arith.constant 0 : index
    %get3A_41 = arith.constant 0 : index
    %get3A_42 = vector.load %arg9[%get3A_40, %get3A_41] : memref<256x256xf32, #tpu.memory_space<vmem>>, vector<256x256xf32>
    %dot_general3A_43 = arith.constant dense<0.000000e+00> : vector<1000x256xf32>
    %dot_general3A_44 = tpu.matmul %add3A_39, %get3A_42, %dot_general3A_43 {dimension_numbers = #tpu.dot_dimension_numbers<[1], [1], [0], [0], [0, 0, 1, 0], [], []>, transpose_lhs_hint = false} : vector<1000x256xf32>, vector<256x256xf32>, vector<1000x256xf32> -> vector<1000x256xf32>
    %get3A_45 = arith.constant 0 : index
    %get3A_46 = arith.constant 0 : index
    %get3A_47 = vector.load %arg10[%get3A_45, %get3A_46] : memref<1x256xf32, #tpu.memory_space<vmem>>, vector<1x256xf32>
    %add3A_48 = vector.broadcast %get3A_47 : vector<1x256xf32> to vector<1000x256xf32>
    %add3A_49 = arith.addf %dot_general3A_44, %add3A_48 : vector<1000x256xf32>
    %swap3A = arith.constant 0 : index
    %swap3A_50 = arith.constant 0 : index
    %swap3A_51 = vector.load %arg11[%swap3A, %swap3A_50] : memref<1000x256xf32, #tpu.memory_space<vmem>>, vector<1000x256xf32>
    tpu.vector_store %arg11[%swap3A, %swap3A_50], %add3A_49 {strides = array<i32>} : memref<1000x256xf32, #tpu.memory_space<vmem>>, vector<1000x256xf32>,
    return
  }
  func.func @transform_0(%arg0: i32) -> (i32, i32) {
    %c0_i32 = arith.constant 0 : i32
    %c0_i32_0 = arith.constant 0 : i32
    return %arg0, %c0_i32 : i32, i32
  }
  func.func @transform_1(%arg0: i32) -> (i32, i32) {
    %c0_i32 = arith.constant 0 : i32
    %c0_i32_0 = arith.constant 0 : i32
    return %arg0, %c0_i32 : i32, i32
  }
  func.func @transform_2(%arg0: i32) -> (i32, i32) {
    %c0_i32 = arith.constant 0 : i32
    %c0_i32_0 = arith.constant 0 : i32
    return %arg0, %c0_i32 : i32, i32
  }
  func.func @transform_3(%arg0: i32) -> (i32, i32) {
    %c0_i32 = arith.constant 0 : i32
    %c0_i32_0 = arith.constant 0 : i32
    %c0_i32_1 = arith.constant 0 : i32
    return %c0_i32, %c0_i32_0 : i32, i32
  }
  func.func @transform_4(%arg0: i32) -> (i32, i32) {
    %c0_i32 = arith.constant 0 : i32
    %c0_i32_0 = arith.constant 0 : i32
    %c0_i32_1 = arith.constant 0 : i32
    return %c0_i32, %c0_i32_0 : i32, i32
  }
  func.func @transform_5(%arg0: i32) -> (i32, i32) {
    %c0_i32 = arith.constant 0 : i32
    %c0_i32_0 = arith.constant 0 : i32
    %c0_i32_1 = arith.constant 0 : i32
    return %c0_i32, %c0_i32_0 : i32, i32
  }
  func.func @transform_6(%arg0: i32) -> (i32, i32) {
    %c0_i32 = arith.constant 0 : i32
    %c0_i32_0 = arith.constant 0 : i32
    %c0_i32_1 = arith.constant 0 : i32
    return %c0_i32, %c0_i32_0 : i32, i32
  }
  func.func @transform_7(%arg0: i32) -> (i32, i32) {
    %c0_i32 = arith.constant 0 : i32
    %c0_i32_0 = arith.constant 0 : i32
    %c0_i32_1 = arith.constant 0 : i32
    return %c0_i32, %c0_i32_0 : i32, i32
  }
  func.func @transform_8(%arg0: i32) -> (i32, i32) {
    %c0_i32 = arith.constant 0 : i32
    %c0_i32_0 = arith.constant 0 : i32
    %c0_i32_1 = arith.constant 0 : i32
    return %c0_i32, %c0_i32_0 : i32, i32
  }
  func.func @transform_9(%arg0: i32) -> (i32, i32) {
    %c0_i32 = arith.constant 0 : i32
    %c0_i32_0 = arith.constant 0 : i32
    %c0_i32_1 = arith.constant 0 : i32
    return %c0_i32, %c0_i32_0 : i32, i32
  }
  func.func @transform_10(%arg0: i32) -> (i32, i32) {
    %c0_i32 = arith.constant 0 : i32
    %c0_i32_0 = arith.constant 0 : i32
    return %arg0, %c0_i32 : i32, i32
  }
}

</mosaic_0001>

<sc_bundles>
// kernel: kernel.6.cloned.1.call-start
scs
__scs_entry_jumppad:
0x0: {  	(pc) =	sbr.rel $0x88, $3  }
0x1: {  	(tag) =	ssettag $0x0;
	lr =	simm.s32 $0x1  }
0x2: {  	[smem:$0x3F95] =	sst lr;
	_ =	strace $0xD0000000  }
0x3: {  	_ = 	snop  }
0x4: {  	_ = 	snop  }
0x5: {  	_ = 	snop  }
0x6: {  	_ = 	snop  }
0x7: {  	_ = 	snop  }
__scs_overlays_trampoline_lowered:
0x8: {  	[smem:$0x3FA4] =	sst s0  }
0x9: {  	[smem:$0x3FA5] =	sst s1  }
0xa: {  	[smem:$0x3FA6] =	sst s2  }
0xb: {  	[smem:$0x3FA7] =	sst s3  }
0xc: {  	[smem:$0x3FA8] =	sst s4  }
0xd: {  	[smem:$0x3FA9] =	sst s5  }
0xe: {  	[smem:$0x3FAA] =	sst s6  }
0xf: {  	[smem:$0x3FAB] =	sst s7  }
0x10: {  	[smem:$0x3FAC] =	sst s8  }
0x11: {  	[smem:$0x3FAD] =	sst s9;
	s0 =	simm.s32 @!p0 $0x0  }
0x12: {  	s1 =	sld [smem:$0x3F93];
	s0 =	simm.s32 @p0 $0x1  }
0x13: {  	[smem:$0x3FAE] =	sst s0;
	s0 =	simm.s32 @!p1 $0x0  }
0x14: {  	s2 =	sld [smem:$0x3F92];
	s0 =	simm.s32 @p1 $0x1  }
0x15: {  	[smem:$0x3FAF] =	sst s0;
	s0 =	simm.s32 @!p2 $0x0  }
0x16: {  	s3 =	sld [smem:$0x3FDB];
	s0 =	simm.s32 @p2 $0x1  }
0x17: {  	s4 =	simm.s32 $0x1BF5;
	[smem:$0x3FB1] =	sst s0  }
0x18: {  	s0 =	sld [smem:$0x3F94];
	_ =	swait.ge [sflag:s4], $0x0  }
0x19: {  	s7 =	sld [smem:$0x3F95]  }
0x1a: {  	s8 =	sadd.s32 $0xFFFFE003, lr  }
0x1b: {  	s9 =	sadd.s32 $0xFFFFFEF7, lr;
	s5 =	simm.s32 $0xFFFFFFFF;
	p2 =	slt.u32 s8, $0xFFFFF086  }
0x1c: {  	p1 =	slt.u32 s9, $0xF7A;
	s5 =	simm.s32 @!p2 $0x0  }
0x1d: {  	s5 =	simm.s32 @p1 $0x1;
	p0 =	seq.s32 s7, s2  }
0x1e: {  	s7 =	smul.u32 @!p0 $0xF7A, s2;
	p2 =	seq.s32 @!p0 s5, $0x0  }
0x1f: {  	s9 =	smul.u32 $0xF7A, s1;
	s8 =	simm.s32 @!p0 $0x1BF5;
	p2 =	por !p2, p0  }
0x20: {  	[sflag:s8] =	ssyncset.s32 @!p0 $0xFFFFF086;
	s6 =	sadd.s32 @!p0 s3, s7;
	s7 =	simm.s32 @!p0 $0x108  }
0x21: {  	s3 =	sadd.s32 s3, s9;
	s6 =	sadd.s32 @!p0 $0x88, s6;
	s7 =	simm.s32 @p2 $0x1082  }
0x22: {  	[simem:s7], [sflag:s8] =	dma.local @!p0 [hbm:s6], $0xF7A  }
0x23: {  	s9 =	sor.u32 $0xD0000000, s2;
	s6 =	simm.s32 $0x108;
	_ =	swait.ge @!p0 [sflag:s8], $0x0  }
0x24: {  	s3 =	sadd.s32 $0x88, s3;
	s6 =	simm.s32 @!p1 $0x1082;
	[sflag:s4] =	ssyncset.s32 $0xFFFFF086  }
0x25: {  	[simem:s6], [sflag:s4] =	dma.local [hbm:s3], $0xF7A  }
0x26: {  	[smem:$0x3F95] =	sst s1;
	(tag) =	ssettag s2;
	_ =	strace s9  }
0x27: {  	s1 =	sld [smem:$0x3FA5]  }
0x28: {  	s2 =	sld [smem:$0x3FA6]  }
0x29: {  	s4 =	sld [smem:$0x3FA8]  }
0x2a: {  	p0 =	seq.s32 s5, $0x0;
	s5 =	sld [smem:$0x3FA9]  }
0x2b: {  	s6 =	sld [smem:$0x3FAA]  }
0x2c: {  	s7 =	sld [smem:$0x3FAB]  }
0x2d: {  	s3 =	simm.s32 $0x108;
	s8 =	sld [smem:$0x3FAC]  }
0x2e: {  	s3 =	simm.s32 @!p0 $0x1082;
	s9 =	sld [smem:$0x3FAD]  }
0x2f: {  	lr =	sadd.s32 s0, s3;
	s0 =	sld [smem:$0x3FA4]  }
0x30: {  	s3 =	sld [smem:$0x3FA7]  }
0x31: {  	[smem:$0x3FB0] =	sst s10  }
0x32: {  	s10 =	sld [smem:$0x3FAE];
	_ =	sdelay $0x3  }
0x33: {  	p0 =	seq.s32 s10, $0x1;
	s10 =	sld [smem:$0x3FB0];
	_ =	sdelay $0x3  }
0x34: {  	[smem:$0x3FB0] =	sst s10  }
0x35: {  	s10 =	sld [smem:$0x3FAF];
	_ =	sdelay $0x3  }
0x36: {  	p1 =	seq.s32 s10, $0x1;
	s10 =	sld [smem:$0x3FB0];
	_ =	sdelay $0x3  }
0x37: {  	[smem:$0x3FB0] =	sst s10  }
0x38: {  	s10 =	sld [smem:$0x3FB1]  }
0x39: {  	_ = 	snop;
	(pc) =	sbr.ind lr, $3  }
0x3a: {  	_ = 	snop  }
0x3b: {  	_ = 	snop  }
0x3c: {  	p2 =	seq.s32 s10, $0x1;
	s10 =	sld [smem:$0x3FB0]  }
0x3d: {  	_ =	shalt  }
0x3e: {  	_ =	shalt  }
0x3f: {  	_ =	shalt  }
0x40: {  	_ =	shalt  }
0x41: {  	_ =	shalt  }
0x42: {  	_ =	shalt  }
0x43: {  	_ =	shalt  }
0x44: {  	_ =	shalt  }
0x45: {  	_ =	shalt  }
0x46: {  	_ =	shalt  }
0x47: {  	_ =	shalt  }
0x48: {  	_ =	shalt  }
0x49: {  	_ =	shalt  }
0x4a: {  	_ =	shalt  }
0x4b: {  	_ =	shalt  }
0x4c: {  	_ =	shalt  }
0x4d: {  	_ =	shalt  }
0x4e: {  	_ =	shalt  }
0x4f: {  	_ =	shalt  }
0x50: {  	_ =	shalt  }
0x51: {  	_ =	shalt  }
0x52: {  	_ =	shalt  }
0x53: {  	_ =	shalt  }
0x54: {  	_ =	shalt  }
0x55: {  	_ =	shalt  }
0x56: {  	_ =	shalt  }
0x57: {  	_ =	shalt  }
0x58: {  	_ =	shalt  }
0x59: {  	_ =	shalt  }
0x5a: {  	_ =	shalt  }
0x5b: {  	_ =	shalt  }
0x5c: {  	_ =	shalt  }
0x5d: {  	_ =	shalt  }
0x5e: {  	_ =	shalt  }
0x5f: {  	_ =	shalt  }
0x60: {  	_ =	shalt  }
0x61: {  	_ =	shalt  }
0x62: {  	_ =	shalt  }
0x63: {  	_ =	shalt  }
0x64: {  	_ =	shalt  }
0x65: {  	_ =	shalt  }
0x66: {  	_ =	shalt  }
0x67: {  	_ =	shalt  }
0x68: {  	_ =	shalt  }
0x69: {  	_ =	shalt  }
0x6a: {  	_ =	shalt  }
0x6b: {  	_ =	shalt  }
0x6c: {  	_ =	shalt  }
0x6d: {  	_ =	shalt  }
0x6e: {  	_ =	shalt  }
0x6f: {  	_ =	shalt  }
0x70: {  	_ =	shalt  }
0x71: {  	_ =	shalt  }
0x72: {  	_ =	shalt  }
0x73: {  	_ =	shalt  }
0x74: {  	_ =	shalt  }
0x75: {  	_ =	shalt  }
0x76: {  	_ =	shalt  }
0x77: {  	_ =	shalt  }
0x78: {  	_ =	shalt  }
0x79: {  	_ =	shalt  }
0x7a: {  	_ =	shalt  }
0x7b: {  	_ =	shalt  }
0x7c: {  	_ =	shalt  }
0x7d: {  	_ =	shalt  }
0x7e: {  	_ =	shalt  }
0x7f: {  	_ =	shalt  }
0x80: {  	_ =	shalt  }
0x81: {  	_ =	shalt  }
0x82: {  	_ =	shalt  }
0x83: {  	_ =	shalt  }
0x84: {  	_ =	shalt  }
0x85: {  	_ =	shalt  }
0x86: {  	_ =	shalt  }
0x87: {  	_ =	shalt  }
.Lfunc_end0:
.L_simem_size_0:
called_computation_lowered:
.L_overlay_start_0:
0x88: {  	s2 =	sld [smem:$0x3FD9]  }
0x89: {  	s3 =	sld [smem:$0x3FFE];
	_ =	sdelay $0x1  }
0x8a: {  	s1 =	srdreg.scid  }
0x8b: {  	s0 =	sand.u32 $0x1, s1  }
0x8c: {  	s17 =	sshll.u32 s0, $0xA;
	s2 =	sadd.s32 s3, s2  }
0x8d: {  	s2 =	sadd.s32 s2, s17  }
0x8e: {  	[smem:$0x3FBC] =	sst s2  }
0x8f: {  	_ = 	snop  }
0x90: {  	s2 =	sld [smem:$0x3FD0];
	(tm) =	ssettm $0x1  }
0x91: {  	s18 =	sld [smem:$0x3FFB];
	_ =	sdelay $0x3  }
0x92: {  	_ =	strace s18  }
0x93: {  	s3 =	sld [smem:$0x3FFC];
	_ =	sdelay $0x3  }
0x94: {  	_ =	strace s3  }
0x95: {  	s3 =	sld [smem:$0x3FFD];
	_ =	sdelay $0x3  }
0x96: {  	_ =	strace s3  }
0x97: {  	_ =	strace $0x8FFFFFFF  }
0x98: {  	s19 =	sld [smem:$0x3FDB];
	_ =	sdelay $0x1  }
0x99: {  	s4 =	simm.s32 $_scs_section_size  }
0x9a: {  	s5 =	simm.s32 $_size__tile_overlayer_lowered;
	s6 =	simm.s32 $_tile_overlayer_lowered  }
0x9b: {  	s22 =	simm.s32 $0x1BFF;
	s21 =	sshll.u32 s6, $0x1;
	s3 =	sadd.s32 s4, s19  }
0x9c: {  	s7 =	simm.s32 $0x0;
	s20 =	sshll.u32 s5, $0x1;
	s5 =	sadd.s32 s21, s3  }
0x9d: {  	[timem:s7], [sflag:s22] =	dma.local [hbm:s5], s20  }
0x9e: {  	_ =	swait.ge [sflag:s22], s20  }
0x9f: {  	s4 =	ssub.s32 $0x0, s20;
	[sflag:s22] =	ssyncset.done $0x0  }
0xa0: {  	[sflag:s22] =	ssyncadd.s32 s4;
	_ =	sdelay $0x1  }
0xa1: {  	s23 =	simm.s32 $0x1B8B  }
0xa2: {  	_ =	swait.ge [sflag:s23], $0x1  }
0xa3: {  	[sflag:s23] =	ssyncset.done $0x0  }
0xa4: {  	s25 =	simm.s32 $0x1B8E;
	s24 =	sld [smem:$0x3FFE];
	[sflag:s23] =	ssyncadd.s32 $0xFFFFFFFF  }
0xa5: {  	s26 =	simm.s32 $execute0_lowered;
	[smem:$0x3FD2] =	sst s25  }
0xa6: {  	s5 =	sshll.u32 s26, $0x1;
	_ =	strace $0x80000046;
	[dreg:$0x1] =	wrdreg $0xFFFFFFFF  }
0xa7: {  	s28 =	simm.s32 $_size_execute0_lowered;
	s3 =	sadd.s32 s3, s5;
	[dreg:$0x0] =	wrdreg $0x0  }
0xa8: {  	s5 =	sshll.u32 s28, $0x1;
	[dreg:$0x2] =	wrdreg s3  }
0xa9: {  	[dreg:$0x3] =	wrdreg s5  }
0xaa: {  	[dreg:$0x4] =	wrdreg $0xC0  }
0xab: {  	_ =	task [dreg:s7], $0x5FFFF  }
0xac: {  	[dreg:$0x1] =	wrdreg $0xFFFFFFFF  }
0xad: {  	[dreg:$0x0] =	wrdreg $0x60  }
0xae: {  	[dreg:$0x2] =	wrdreg s2  }
0xaf: {  	[dreg:$0x3] =	wrdreg s24  }
0xb0: {  	[dreg:$0x4] =	wrdreg $0x90800  }
0xb1: {  	[dreg:$0x5] =	wrdreg $0x1D0800  }
0xb2: {  	[dreg:$0x6] =	wrdreg $0x9  }
0xb3: {  	_ =	task.clear_ibuf [dreg:s7], $0x7FFFF;
	_ =	strace $0x90000046  }
0xb4: {  	s29 =	simm.s32 $0x9;
	_ =	strace $0x80000048  }
0xb5: {  	_ =	swait.ge [sflag:s29], $0x1  }
0xb6: {  	[sflag:s29] =	ssyncadd.s32 $0xFFFFFFFF  }
0xb7: {  	_ =	strace $0x90000048  }
0xb8: {  	_ =	sfence  }
0xb9: {  	s30 =	sld [smem:$0x0];
	_ =	sdelay $0x2  }
0xba: {  	s31 =	sshll.u32 s1, $0xD;
	s1 =	sshrl.u32 s1, $0x2  }
0xbb: {  	s3 =	sand.u32 $0x4000, s31;
	s1 =	sadd.s32 s1, s30  }
0xbc: {  	s0 =	sor.u32 s3, s0;
	s1 =	sshll.u32 s1, $0x11  }
0xbd: {  	s0 =	sor.u32 s1, s0  }
0xbe: {  	s0 =	sadd.s32 $0x8F2B, s0  }
0xbf: {  	[sflag:s0] =	ssyncadd.remote.s32 $0x1  }
0xc0: {  	_ =	sfence.sel $0xFFFF  }
0xc1: {  	[dreg:$0x0] =	wrdreg $0xFFFFFFFF;
	(pc) =	sbr.abs _section_cstart, $3  }
0xc2: {  	[dreg:$0x1] =	wrdreg $0xFFFFFFFF  }
0xc3: {  	_ =	task.clear_ibuf [dreg:s7], $0x2FFFF;
	_ =	strace $0x9FFFFFFF  }
0xc4: {  	(tm) =	ssettm $0x7FFFFFFF  }
0xc5: {  	_ =	shalt  }
tec
execute0_lowered:
.L_overlay_start_1:
0x0: {  	(tag) =	ssettag $0x1  }
0x1: {  	s1 =	rddreg [dreg:$0x0]  }
0x2: {  	s9 =	rddreg [dreg:$0x1]  }
0x3: {  	s2 =	srdreg.scid;
	s3 =	rddreg [dreg:$0x2]  }
0x4: {  	s0 =	stileid.u32;
	s4 =	rddreg [dreg:$0x3];
	s5 =	simm.s32 $0x0  }
0x5: {  	s21 =	simm.s32 $0x80;
	s22 =	simm.s32 $0x5000;
	s6 =	smul.u32 $0x2800, s0  }
0x6: {  	s23 =	simm.s32 $0x1;
	s24 =	simm.s32 $0x3;
	s13 =	smul.u32 $0x280, s0  }
0x7: {  	s2 =	sand.u32 $0x1, s2;
	[smem:$0x7FF] =	sst s5;
	s16 =	smul.u32 $0x50000, s0  }
0x8: {  	s8 =	sadd.s32 $0x10E00, s9;
	s17 =	sadd.s32 $0x14000, s9;
	s28 =	smul.u32 $0x28000, s0  }
0x9: {  	s26 =	sshll.u32 s0, $0x6;
	p1 =	seq.s32 s0, $0xF;
	s7 =	smul.u32 $0x28000, s2  }
0xa: {  	_ =	strace $0x80000047;
	s10 =	ssub.s32 $0x2, s2;
	s29 =	sshll.u32 s2, $0xA  }
0xb: {  	s31 =	sshll.u32 s2, $0x7;
	p0 =	sne.s32 s2, $0x0;
	s14 =	sshrl.u32 s13, $0x3  }
0xc: {  	s15 =	sshrl.u32 s10, $0x1;
	s25 =	sshrl.u32 s16, $0x2;
	s20 =	sadd.s32 s13, s4  }
0xd: {  	s30 =	sor.u32 s29, s28;
	s7 =	sadd.s32 s6, s7;
	s6 =	sshrl.u32 s6, $0x3  }
0xe: {  	s18 =	sadd.s32 s14, s9;
	s19 =	ssub.s32 s10, s15;
	s10 =	sor.u32 $0x1C02, s26  }
0xf: {  	s13 =	sshrl.u32 s30, $0x3;
	s14 =	sadd.s32 s31, s17;
	s26 =	simm.s32 $0x0  }
0x10: {  	s7 =	sshrl.u32 s7, $0x3;
	s12 =	sadd.s32 s6, s9;
	s6 =	sadd.s32 $0x11200, s9  }
0x11: {  	s13 =	sadd.s32 s17, s13;
	s14 =	sadd.s32 $0x4B000, s14;
	s15 =	sadd.s32 $0x13A00, s18  }
0x12: {  	s16 =	smax.u32 s19, $0x1;
	s18 =	simm.s32 $0x2;
	s19 =	sshrl.u32 @!p0 s20, $0x3  }
0x13: {  	s20 =	simm.s32 $0x2800;
	s11 =	sadd.s32 s7, s9;
	s7 =	sadd.s32 $0x11000, s9  }
0x14: {  	s9 =	sadd.s32 s25, s3;
	s12 =	sadd.s32 $0x1E00, s12;
	s25 =	sadd.s32 $0x12C000, s3  }
0x15: {  	s11 =	sadd.s32 $0x6E00, s11;
	s17 =	sshrl.u32 s9, $0x3;
	s25 =	sshrl.u32 @p1 s25, $0x3  }
.LBB2_1:
0x16: {  	[spmem:s17], [sflag:s10] =	dma.local [hbm:s6], $0x2800  }
0x17: {  	_ =	swait.ge [sflag:s18], $0x2800  }
0x18: {  	[sflag:s18] =	ssyncset.done $0x0  }
0x19: {  	s28 =	simm.s32 @!p0 $0x2;
	[sflag:s18] =	ssyncadd.s32 $0xFFFFD800  }
0x1a: {  	[spmem:s19], [sflag:s10] =	dma.local @!p0 [hbm:s7], $0x50  }
0x1b: {  	_ =	swait.ge @!p0 [sflag:s28], $0x50  }
0x1c: {  	[sflag:s28] =	ssyncset.done @!p0 $0x0  }
0x1d: {  	s2 =	simm.s32 @!p0 $0x0;
	s29 =	simm.s32 @!p0 $0x9000;
	[sflag:s28] =	ssyncadd.s32 @!p0 $0xFFFFFFB0  }
0x1e: {  	[tilespmem:s29], [sflag:$0x2] =	stream.linear.gather @!p0 [hbm4b:s8+s2], $0x80, $0x38;
	[tilespmem:$0x1D300] =	vst v63  }
0x1f: {  	_ =	swait.ge @!p0 [sflag:s28], $0x80  }
0x20: {  	[sflag:s28] =	ssyncset.done @!p0 $0x0  }
0x21: {  	[sflag:s28] =	ssyncadd.s32 @!p0 $0xFFFFFF80  }
0x22: {  	[tilespmem:s5], [sflag:$0x2] =	stream.linear.gather [hbm4b:s11+s5], $0x2780, $0x38;
	[tilespmem:$0x1D300] =	vst v63  }
0x23: {  	_ =	swait.ge [sflag:s18], $0x2780  }
0x24: {  	[sflag:s18] =	ssyncset.done $0x0  }
0x25: {  	[sflag:s18] =	ssyncadd.s32 $0xFFFFD880  }
0x26: {  	[tilespmem:s20], [sflag:$0x2] =	stream.linear.gather [hbm4b:s12+s5], $0x2780, $0x38;
	[tilespmem:$0x1D300] =	vst v63  }
0x27: {  	_ =	swait.ge [sflag:s18], $0x2780  }
0x28: {  	[sflag:s18] =	ssyncset.done $0x0  }
0x29: {  	[sflag:s18] =	ssyncadd.s32 $0xFFFFD880  }
0x2a: {  	s0 =	simm.s32 $0x0;
	[bflag:$0x0] =	sbarrier.arrive $0xFFFF  }
0x2b: {  	[tilespmem:s22], [sflag:$0x1] =	stream.indirect.gather [hbm4b:s1+s21], $0x80, s0, s21, $0xb8;
	[tilespmem:$0x1D300] =	vst v63  }
0x2c: {  	_ =	swait.ge [sflag:s23], $0x4000  }
0x2d: {  	[sflag:s23] =	ssyncset.done $0x0  }
0x2e: {  	s2 =	simm.s32 $0x2800;
	[sflag:s23] =	ssyncadd.s32 $0xFFFFC000  }
0x2f: {  	[spmem:s3] =	stream.indirect.scatter.add.f32 [tilespmem:s22], [sflag:$0x3], $0x80, s2, s21, $0xb8;
	[tilespmem:$0x1D300] =	vst v63  }
0x30: {  	_ =	swait.ge [sflag:s24], $0x4000  }
0x31: {  	[sflag:s24] =	ssyncset.done $0x0  }
0x32: {  	s30 =	simm.s32 @!p0 $0x80;
	[sflag:s24] =	ssyncadd.s32 $0xFFFFC000  }
0x33: {  	[spmem:s4] =	stream.indirect.scatter.add.f32 @!p0 [tilespmem:s29], [sflag:$0x2], $0x1, s2, s30, $0xb8;
	[tilespmem:$0x1D300] =	vst v63  }
0x34: {  	_ =	swait.ge @!p0 [sflag:s28], $0x80  }
0x35: {  	s31 =	simm.s32 $0x200;
	s2 =	simm.s32 $0x400;
	[sflag:s28] =	ssyncset.done @!p0 $0x0  }
.LBB2_2:
0x36: {  	s0 =	sshra.s32 s31, $0x2  }
0x37: {  	[sflag:s28] =	ssyncadd.s32 @!p0 $0xFFFFFF80;
	s31 =	smov.u32 s2;
	s2 =	sadd.s32 $0x200, s2  }
0x38: {  	[tilespmem:s22], [sflag:$0x1] =	stream.indirect.gather [hbm4b:s1+s21], $0x80, s0, s21, $0xb8;
	[tilespmem:$0x1D300] =	vst v63  }
0x39: {  	p2 =	sne.s32 s2, $0x9E00;
	_ =	swait.ge [sflag:s23], $0x4000  }
0x3a: {  	[sflag:s23] =	ssyncset.done $0x0  }
0x3b: {  	s0 =	sadd.s32 $0x2800, s0;
	[sflag:s23] =	ssyncadd.s32 $0xFFFFC000  }
0x3c: {  	[spmem:s3] =	stream.indirect.scatter.add.f32 [tilespmem:s22], [sflag:$0x3], $0x80, s0, s21, $0xb8;
	[tilespmem:$0x1D300] =	vst v63  }
0x3d: {  	_ =	swait.ge [sflag:s24], $0x4000  }
.Ltmp0:
0x3e: {  	[sflag:s24] =	ssyncset.done $0x0;
	(pc) =	sbr.rel @p2 .LBB2_2-.Ltmp0, $4  }
0x3f: {  	[sflag:s24] =	ssyncadd.s32 $0xFFFFC000  }
0x40: {  	[spmem:s4] =	stream.indirect.scatter.add.f32 @!p0 [tilespmem:s29], [sflag:$0x2], $0x1, s0, s30, $0xb8;
	[tilespmem:$0x1D300] =	vst v63  }
0x41: {  	_ =	swait.ge @!p0 [sflag:s28], $0x80  }
0x42: {  	[sflag:s28] =	ssyncset.done @!p0 $0x0  }
0x43: {  	s0 =	sshra.s32 s31, $0x2;
	[sflag:s28] =	ssyncadd.s32 @!p0 $0xFFFFFF80  }
0x44: {  	[tilespmem:s22], [sflag:$0x1] =	stream.indirect.gather [hbm4b:s1+s21], $0x80, s0, s21, $0xb8;
	[tilespmem:$0x1D300] =	vst v63  }
0x45: {  	_ =	swait.ge [sflag:s23], $0x4000  }
0x46: {  	[sflag:s23] =	ssyncset.done $0x0  }
0x47: {  	s0 =	sadd.s32 $0x2800, s0;
	[sflag:s23] =	ssyncadd.s32 $0xFFFFC000  }
0x48: {  	[spmem:s3] =	stream.indirect.scatter.add.f32 [tilespmem:s22], [sflag:$0x3], $0x80, s0, s21, $0xb8;
	[tilespmem:$0x1D300] =	vst v63  }
0x49: {  	_ =	swait.ge [sflag:s24], $0x4000  }
0x4a: {  	[sflag:s24] =	ssyncset.done $0x0  }
0x4b: {  	s2 =	simm.s32 @!p0 $0x80;
	[sflag:s24] =	ssyncadd.s32 $0xFFFFC000  }
0x4c: {  	[spmem:s4] =	stream.indirect.scatter.add.f32 @!p0 [tilespmem:s29], [sflag:$0x2], $0x1, s0, s2, $0xb8;
	[tilespmem:$0x1D300] =	vst v63  }
0x4d: {  	_ =	swait.ge @!p0 [sflag:s28], $0x80  }
0x4e: {  	[sflag:s28] =	ssyncset.done @!p0 $0x0  }
0x4f: {  	s0 =	simm.s32 @p1 $0x8;
	[sflag:s28] =	ssyncadd.s32 @!p0 $0xFFFFFF80  }
0x50: {  	s2 =	simm.s32 @p1 $0x100;
	s28 =	simm.s32 @p1 $0x80;
	[bflag:$0x0] =	sbarrier.arrive $0xFFFF  }
0x51: {  	[hbm:s14@s2], [sflag:s10] =	dma.strided @p1 [spmem:s25@s28], $0x1900, s0, $0x10   }
0x52: {  	s0 =	simm.s32 @p1 $0x2  }
0x53: {  	_ =	swait.ge @p1 [sflag:s0], $0x1900  }
0x54: {  	s29 =	simm.s32 @!p1 $0x80;
	s2 =	simm.s32 @!p1 $0x8;
	[sflag:s0] =	ssyncset.done @p1 $0x0  }
0x55: {  	s28 =	simm.s32 @!p1 $0x100;
	[sflag:s0] =	ssyncadd.s32 @p1 $0xFFFFE700;
	s0 =	sshrl.u32 @!p1 s9, $0x3  }
0x56: {  	[hbm:s13@s28], [sflag:s10] =	dma.strided @!p1 [spmem:s0@s29], $0x2800, s2, $0x10   }
0x57: {  	s0 =	simm.s32 @!p1 $0x2  }
0x58: {  	s26 =	sadd.s32 $0x1, s26;
	_ =	swait.ge @!p1 [sflag:s0], $0x2800  }
0x59: {  	p2 =	sne.s32 s26, s16;
	[sflag:s0] =	ssyncset.done @!p1 $0x0  }
.Ltmp1:
0x5a: {  	[sflag:s0] =	ssyncadd.s32 @!p1 $0xFFFFD800;
	s0 =	simm.s32 @!p0 $0x2;
	(pc) =	sbr.rel @p2 .LBB2_1-.Ltmp1, $4  }
0x5b: {  	[hbm:s15], [sflag:s10] =	dma.local @!p0 [spmem:s19], $0x50  }
0x5c: {  	_ =	swait.ge @!p0 [sflag:s0], $0x50  }
0x5d: {  	[sflag:s0] =	ssyncset.done @!p0 $0x0  }
0x5e: {  	[sflag:s0] =	ssyncadd.s32 @!p0 $0xFFFFFFB0  }
0x5f: {  	_ =	sfence.sel $0x180000  }
0x60: {  	[bflag:$0x0] =	sbarrier.arrive $0xFFFF  }
0x61: {  	_ =	strace $0x90000047  }
0x62: {  	s0 =	stileid.u32;
	[bflag:$0x2] =	sbarrier.arrive $0xFFFF  }
0x63: {  	p0 =	sne.s32 s0, $0x0;
	s0 =	rddreg [dreg:$0x4]  }
0x64: {  	s0 =	sadd.s32 @!p0 $0x100000, s0  }
0x65: {  	[sflag:s0] =	ssyncadd.tile.s32 @!p0 $0x1;
	_ =	shalt  }
.Lfunc_end2:
_tile_overlayer_lowered:
.L_overlay_start_2:
0x66: {  	(tag) =	ssettag $0x2  }
0x67: {  	s0 =	rddreg [dreg:$0x0];
	s2 =	stileid.u32  }
0x68: {  	s1 =	rddreg [dreg:$0x1];
	p0 =	sne.s32 s2, $0x0  }
0x69: {  	s3 =	rddreg [dreg:$0x2];
	[bflag:$0x3] =	sbarrier.arrive $0xFFFF;
	s2 =	simm.s32 @!p0 $0x1C02  }
0x6a: {  	[timem:s3], [sflag:s2] =	dma.local @!p0 [hbm:s0], s1  }
0x6b: {  	s0 =	simm.s32 @!p0 $0x2  }
0x6c: {  	_ =	swait.ge @!p0 [sflag:s0], s1  }
0x6d: {  	s1 =	ssub.s32 @!p0 $0x0, s1;
	[sflag:s0] =	ssyncset.done @!p0 $0x0  }
0x6e: {  	[sflag:s0] =	ssyncadd.s32 @!p0 s1  }
0x6f: {  	[bflag:$0x3] =	sbarrier.arrive $0xFFFF  }
0x70: {  	_ =	shalt  }

// kernel: kernel.9.cloned.1.call-start
scs
__scs_entry_jumppad:
0x0: {  	(pc) =	sbr.rel $0x88, $3  }
0x1: {  	(tag) =	ssettag $0x0;
	lr =	simm.s32 $0x1  }
0x2: {  	[smem:$0x3F95] =	sst lr;
	_ =	strace $0xD0000000  }
0x3: {  	_ = 	snop  }
0x4: {  	_ = 	snop  }
0x5: {  	_ = 	snop  }
0x6: {  	_ = 	snop  }
0x7: {  	_ = 	snop  }
__scs_overlays_trampoline_lowered:
0x8: {  	[smem:$0x3FA4] =	sst s0  }
0x9: {  	[smem:$0x3FA5] =	sst s1  }
0xa: {  	[smem:$0x3FA6] =	sst s2  }
0xb: {  	[smem:$0x3FA7] =	sst s3  }
0xc: {  	[smem:$0x3FA8] =	sst s4  }
0xd: {  	[smem:$0x3FA9] =	sst s5  }
0xe: {  	[smem:$0x3FAA] =	sst s6  }
0xf: {  	[smem:$0x3FAB] =	sst s7  }
0x10: {  	[smem:$0x3FAC] =	sst s8  }
0x11: {  	[smem:$0x3FAD] =	sst s9;
	s0 =	simm.s32 @!p0 $0x0  }
0x12: {  	s1 =	sld [smem:$0x3F93];
	s0 =	simm.s32 @p0 $0x1  }
0x13: {  	[smem:$0x3FAE] =	sst s0;
	s0 =	simm.s32 @!p1 $0x0  }
0x14: {  	s2 =	sld [smem:$0x3F92];
	s0 =	simm.s32 @p1 $0x1  }
0x15: {  	[smem:$0x3FAF] =	sst s0;
	s0 =	simm.s32 @!p2 $0x0  }
0x16: {  	s3 =	sld [smem:$0x3FDB];
	s0 =	simm.s32 @p2 $0x1  }
0x17: {  	s4 =	simm.s32 $0x1BF5;
	[smem:$0x3FB1] =	sst s0  }
0x18: {  	s0 =	sld [smem:$0x3F94];
	_ =	swait.ge [sflag:s4], $0x0  }
0x19: {  	s7 =	sld [smem:$0x3F95]  }
0x1a: {  	s8 =	sadd.s32 $0xFFFFE003, lr  }
0x1b: {  	s9 =	sadd.s32 $0xFFFFFEF7, lr;
	s5 =	simm.s32 $0xFFFFFFFF;
	p2 =	slt.u32 s8, $0xFFFFF086  }
0x1c: {  	p1 =	slt.u32 s9, $0xF7A;
	s5 =	simm.s32 @!p2 $0x0  }
0x1d: {  	s5 =	simm.s32 @p1 $0x1;
	p0 =	seq.s32 s7, s2  }
0x1e: {  	s7 =	smul.u32 @!p0 $0xF7A, s2;
	p2 =	seq.s32 @!p0 s5, $0x0  }
0x1f: {  	s9 =	smul.u32 $0xF7A, s1;
	s8 =	simm.s32 @!p0 $0x1BF5;
	p2 =	por !p2, p0  }
0x20: {  	[sflag:s8] =	ssyncset.s32 @!p0 $0xFFFFF086;
	s6 =	sadd.s32 @!p0 s3, s7;
	s7 =	simm.s32 @!p0 $0x108  }
0x21: {  	s3 =	sadd.s32 s3, s9;
	s6 =	sadd.s32 @!p0 $0x88, s6;
	s7 =	simm.s32 @p2 $0x1082  }
0x22: {  	[simem:s7], [sflag:s8] =	dma.local @!p0 [hbm:s6], $0xF7A  }
0x23: {  	s9 =	sor.u32 $0xD0000000, s2;
	s6 =	simm.s32 $0x108;
	_ =	swait.ge @!p0 [sflag:s8], $0x0  }
0x24: {  	s3 =	sadd.s32 $0x88, s3;
	s6 =	simm.s32 @!p1 $0x1082;
	[sflag:s4] =	ssyncset.s32 $0xFFFFF086  }
0x25: {  	[simem:s6], [sflag:s4] =	dma.local [hbm:s3], $0xF7A  }
0x26: {  	[smem:$0x3F95] =	sst s1;
	(tag) =	ssettag s2;
	_ =	strace s9  }
0x27: {  	s1 =	sld [smem:$0x3FA5]  }
0x28: {  	s2 =	sld [smem:$0x3FA6]  }
0x29: {  	s4 =	sld [smem:$0x3FA8]  }
0x2a: {  	p0 =	seq.s32 s5, $0x0;
	s5 =	sld [smem:$0x3FA9]  }
0x2b: {  	s6 =	sld [smem:$0x3FAA]  }
0x2c: {  	s7 =	sld [smem:$0x3FAB]  }
0x2d: {  	s3 =	simm.s32 $0x108;
	s8 =	sld [smem:$0x3FAC]  }
0x2e: {  	s3 =	simm.s32 @!p0 $0x1082;
	s9 =	sld [smem:$0x3FAD]  }
0x2f: {  	lr =	sadd.s32 s0, s3;
	s0 =	sld [smem:$0x3FA4]  }
0x30: {  	s3 =	sld [smem:$0x3FA7]  }
0x31: {  	[smem:$0x3FB0] =	sst s10  }
0x32: {  	s10 =	sld [smem:$0x3FAE];
	_ =	sdelay $0x3  }
0x33: {  	p0 =	seq.s32 s10, $0x1;
	s10 =	sld [smem:$0x3FB0];
	_ =	sdelay $0x3  }
0x34: {  	[smem:$0x3FB0] =	sst s10  }
0x35: {  	s10 =	sld [smem:$0x3FAF];
	_ =	sdelay $0x3  }
0x36: {  	p1 =	seq.s32 s10, $0x1;
	s10 =	sld [smem:$0x3FB0];
	_ =	sdelay $0x3  }
0x37: {  	[smem:$0x3FB0] =	sst s10  }
0x38: {  	s10 =	sld [smem:$0x3FB1]  }
0x39: {  	_ = 	snop;
	(pc) =	sbr.ind lr, $3  }
0x3a: {  	_ = 	snop  }
0x3b: {  	_ = 	snop  }
0x3c: {  	p2 =	seq.s32 s10, $0x1;
	s10 =	sld [smem:$0x3FB0]  }
0x3d: {  	_ =	shalt  }
0x3e: {  	_ =	shalt  }
0x3f: {  	_ =	shalt  }
0x40: {  	_ =	shalt  }
0x41: {  	_ =	shalt  }
0x42: {  	_ =	shalt  }
0x43: {  	_ =	shalt  }
0x44: {  	_ =	shalt  }
0x45: {  	_ =	shalt  }
0x46: {  	_ =	shalt  }
0x47: {  	_ =	shalt  }
0x48: {  	_ =	shalt  }
0x49: {  	_ =	shalt  }
0x4a: {  	_ =	shalt  }
0x4b: {  	_ =	shalt  }
0x4c: {  	_ =	shalt  }
0x4d: {  	_ =	shalt  }
0x4e: {  	_ =	shalt  }
0x4f: {  	_ =	shalt  }
0x50: {  	_ =	shalt  }
0x51: {  	_ =	shalt  }
0x52: {  	_ =	shalt  }
0x53: {  	_ =	shalt  }
0x54: {  	_ =	shalt  }
0x55: {  	_ =	shalt  }
0x56: {  	_ =	shalt  }
0x57: {  	_ =	shalt  }
0x58: {  	_ =	shalt  }
0x59: {  	_ =	shalt  }
0x5a: {  	_ =	shalt  }
0x5b: {  	_ =	shalt  }
0x5c: {  	_ =	shalt  }
0x5d: {  	_ =	shalt  }
0x5e: {  	_ =	shalt  }
0x5f: {  	_ =	shalt  }
0x60: {  	_ =	shalt  }
0x61: {  	_ =	shalt  }
0x62: {  	_ =	shalt  }
0x63: {  	_ =	shalt  }
0x64: {  	_ =	shalt  }
0x65: {  	_ =	shalt  }
0x66: {  	_ =	shalt  }
0x67: {  	_ =	shalt  }
0x68: {  	_ =	shalt  }
0x69: {  	_ =	shalt  }
0x6a: {  	_ =	shalt  }
0x6b: {  	_ =	shalt  }
0x6c: {  	_ =	shalt  }
0x6d: {  	_ =	shalt  }
0x6e: {  	_ =	shalt  }
0x6f: {  	_ =	shalt  }
0x70: {  	_ =	shalt  }
0x71: {  	_ =	shalt  }
0x72: {  	_ =	shalt  }
0x73: {  	_ =	shalt  }
0x74: {  	_ =	shalt  }
0x75: {  	_ =	shalt  }
0x76: {  	_ =	shalt  }
0x77: {  	_ =	shalt  }
0x78: {  	_ =	shalt  }
0x79: {  	_ =	shalt  }
0x7a: {  	_ =	shalt  }
0x7b: {  	_ =	shalt  }
0x7c: {  	_ =	shalt  }
0x7d: {  	_ =	shalt  }
0x7e: {  	_ =	shalt  }
0x7f: {  	_ =	shalt  }
0x80: {  	_ =	shalt  }
0x81: {  	_ =	shalt  }
0x82: {  	_ =	shalt  }
0x83: {  	_ =	shalt  }
0x84: {  	_ =	shalt  }
0x85: {  	_ =	shalt  }
0x86: {  	_ =	shalt  }
0x87: {  	_ =	shalt  }
.Lfunc_end0:
.L_simem_size_0:
called_computation.1_lowered:
.L_overlay_start_0:
0x88: {  	s2 =	sld [smem:$0x3FD9]  }
0x89: {  	s3 =	sld [smem:$0x3FFE];
	_ =	sdelay $0x1  }
0x8a: {  	s1 =	srdreg.scid  }
0x8b: {  	s0 =	sand.u32 $0x1, s1  }
0x8c: {  	s17 =	sshll.u32 s0, $0xA;
	s2 =	sadd.s32 s3, s2  }
0x8d: {  	s2 =	sadd.s32 s2, s17  }
0x8e: {  	[smem:$0x3FBC] =	sst s2  }
0x8f: {  	_ = 	snop  }
0x90: {  	s2 =	sld [smem:$0x3FD0];
	(tm) =	ssettm $0x1  }
0x91: {  	s18 =	sld [smem:$0x3FFB];
	_ =	sdelay $0x3  }
0x92: {  	_ =	strace s18  }
0x93: {  	s3 =	sld [smem:$0x3FFC];
	_ =	sdelay $0x3  }
0x94: {  	_ =	strace s3  }
0x95: {  	s3 =	sld [smem:$0x3FFD];
	_ =	sdelay $0x3  }
0x96: {  	_ =	strace s3  }
0x97: {  	_ =	strace $0x8FFFFFFF  }
0x98: {  	s19 =	sld [smem:$0x3FDB];
	_ =	sdelay $0x1  }
0x99: {  	s4 =	simm.s32 $_scs_section_size  }
0x9a: {  	s5 =	simm.s32 $_size__tile_overlayer_lowered;
	s6 =	simm.s32 $_tile_overlayer_lowered  }
0x9b: {  	s22 =	simm.s32 $0x1BFF;
	s21 =	sshll.u32 s6, $0x1;
	s3 =	sadd.s32 s4, s19  }
0x9c: {  	s7 =	simm.s32 $0x0;
	s20 =	sshll.u32 s5, $0x1;
	s5 =	sadd.s32 s21, s3  }
0x9d: {  	[timem:s7], [sflag:s22] =	dma.local [hbm:s5], s20  }
0x9e: {  	_ =	swait.ge [sflag:s22], s20  }
0x9f: {  	s4 =	ssub.s32 $0x0, s20;
	[sflag:s22] =	ssyncset.done $0x0  }
0xa0: {  	[sflag:s22] =	ssyncadd.s32 s4;
	_ =	sdelay $0x1  }
0xa1: {  	s23 =	simm.s32 $0x1B8B  }
0xa2: {  	_ =	swait.ge [sflag:s23], $0x1  }
0xa3: {  	[sflag:s23] =	ssyncset.done $0x0  }
0xa4: {  	s25 =	simm.s32 $0x1B8E;
	s24 =	sld [smem:$0x3FFE];
	[sflag:s23] =	ssyncadd.s32 $0xFFFFFFFF  }
0xa5: {  	s26 =	simm.s32 $execute0_lowered;
	[smem:$0x3FD2] =	sst s25  }
0xa6: {  	s5 =	sshll.u32 s26, $0x1;
	_ =	strace $0x80000049;
	[dreg:$0x1] =	wrdreg $0xFFFFFFFF  }
0xa7: {  	s28 =	simm.s32 $_size_execute0_lowered;
	s3 =	sadd.s32 s3, s5;
	[dreg:$0x0] =	wrdreg $0x0  }
0xa8: {  	s5 =	sshll.u32 s28, $0x1;
	[dreg:$0x2] =	wrdreg s3  }
0xa9: {  	[dreg:$0x3] =	wrdreg s5  }
0xaa: {  	[dreg:$0x4] =	wrdreg $0xC0  }
0xab: {  	_ =	task [dreg:s7], $0x5FFFF  }
0xac: {  	[dreg:$0x1] =	wrdreg $0xFFFFFFFF  }
0xad: {  	[dreg:$0x0] =	wrdreg $0x60  }
0xae: {  	[dreg:$0x2] =	wrdreg s2  }
0xaf: {  	[dreg:$0x3] =	wrdreg s24  }
0xb0: {  	[dreg:$0x4] =	wrdreg $0x90000  }
0xb1: {  	[dreg:$0x5] =	wrdreg $0x9  }
0xb2: {  	_ =	task.clear_ibuf [dreg:s7], $0x6FFFF;
	_ =	strace $0x90000049  }
0xb3: {  	s29 =	simm.s32 $0x9;
	_ =	strace $0x8000004B  }
0xb4: {  	_ =	swait.ge [sflag:s29], $0x1  }
0xb5: {  	[sflag:s29] =	ssyncadd.s32 $0xFFFFFFFF  }
0xb6: {  	_ =	strace $0x9000004B  }
0xb7: {  	_ =	sfence  }
0xb8: {  	s30 =	sld [smem:$0x0];
	_ =	sdelay $0x2  }
0xb9: {  	s31 =	sshll.u32 s1, $0xD;
	s1 =	sshrl.u32 s1, $0x2  }
0xba: {  	s3 =	sand.u32 $0x4000, s31;
	s1 =	sadd.s32 s1, s30  }
0xbb: {  	s0 =	sor.u32 s3, s0;
	s1 =	sshll.u32 s1, $0x11  }
0xbc: {  	s0 =	sor.u32 s1, s0  }
0xbd: {  	s0 =	sadd.s32 $0x8F2B, s0  }
0xbe: {  	[sflag:s0] =	ssyncadd.remote.s32 $0x1  }
0xbf: {  	_ =	sfence.sel $0xFFFF  }
0xc0: {  	[dreg:$0x0] =	wrdreg $0xFFFFFFFF;
	(pc) =	sbr.abs _section_cstart, $3  }
0xc1: {  	[dreg:$0x1] =	wrdreg $0xFFFFFFFF  }
0xc2: {  	_ =	task.clear_ibuf [dreg:s7], $0x2FFFF;
	_ =	strace $0x9FFFFFFF  }
0xc3: {  	(tm) =	ssettm $0x7FFFFFFF  }
tec
execute0_lowered:
.L_overlay_start_1:
0x0: {  	(tag) =	ssettag $0x1  }
0x1: {  	s1 =	srdreg.scid;
	s2 =	rddreg [dreg:$0x0]  }
0x2: {  	s0 =	stileid.u32;
	s6 =	rddreg [dreg:$0x1]  }
0x3: {  	s3 =	rddreg [dreg:$0x2];
	s4 =	simm.s32 $0x0;
	s14 =	simm.s32 $0x2800  }
0x4: {  	s15 =	simm.s32 $0x80;
	s16 =	simm.s32 $0x5000;
	s17 =	simm.s32 $0x1  }
0x5: {  	s9 =	sand.u32 $0x1, s1;
	s5 =	smul.u32 $0x2800, s0;
	s1 =	rddreg [dreg:$0x3]  }
0x6: {  	s20 =	simm.s32 $0x0;
	[smem:$0x7FF] =	sst s4;
	s11 =	smul.u32 $0x50000, s0  }
0x7: {  	s12 =	sadd.s32 $0x61C00, s6;
	s26 =	smul.u32 $0x28000, s0;
	s28 =	sshll.u32 s0, $0x6  }
0x8: {  	s18 =	sadd.s32 $0x12C000, s3;
	p0 =	seq.s32 s0, $0xF;
	s7 =	smul.u32 $0x28000, s9  }
0x9: {  	_ =	strace $0x8000004A;
	s10 =	ssub.s32 $0x2, s9;
	s29 =	sshll.u32 s9, $0xA  }
0xa: {  	s30 =	sshll.u32 s9, $0x7;
	s18 =	sshrl.u32 @p0 s18, $0x3;
	s24 =	sshrl.u32 s10, $0x1  }
0xb: {  	s25 =	sshrl.u32 s11, $0x2;
	s31 =	sadd.s32 s30, s12;
	s7 =	sadd.s32 s5, s7  }
0xc: {  	s5 =	sshrl.u32 s5, $0x3;
	s13 =	ssub.s32 s10, s24;
	s19 =	sadd.s32 s25, s3  }
0xd: {  	s10 =	sor.u32 s29, s26;
	s7 =	sshrl.u32 s7, $0x3;
	s8 =	sadd.s32 s5, s6  }
0xe: {  	s5 =	sadd.s32 $0x11200, s6;
	s10 =	sshrl.u32 s10, $0x3;
	s11 =	smax.u32 s13, $0x1  }
0xf: {  	s13 =	simm.s32 $0x2;
	s7 =	sadd.s32 s7, s6;
	s6 =	sor.u32 $0x1C02, s28  }
0x10: {  	s8 =	sadd.s32 $0x1E00, s8;
	s9 =	sadd.s32 s12, s10;
	s10 =	sadd.s32 $0x4B000, s31  }
0x11: {  	s12 =	sshrl.u32 s19, $0x3;
	s19 =	sshrl.u32 @!p0 s19, $0x3;
	s7 =	sadd.s32 $0x6E00, s7  }
.LBB2_1:
0x12: {  	[spmem:s12], [sflag:s6] =	dma.local [hbm:s5], $0x2800  }
0x13: {  	_ =	swait.ge [sflag:s13], $0x2800  }
0x14: {  	[sflag:s13] =	ssyncset.done $0x0  }
0x15: {  	[sflag:s13] =	ssyncadd.s32 $0xFFFFD800  }
0x16: {  	[tilespmem:s4], [sflag:$0x2] =	stream.linear.gather [hbm4b:s7+s4], $0x2780, $0x38;
	[tilespmem:$0x1D000] =	vst v63  }
0x17: {  	_ =	swait.ge [sflag:s13], $0x2780  }
0x18: {  	[sflag:s13] =	ssyncset.done $0x0  }
0x19: {  	[sflag:s13] =	ssyncadd.s32 $0xFFFFD880  }
0x1a: {  	[tilespmem:s14], [sflag:$0x2] =	stream.linear.gather [hbm4b:s8+s4], $0x2780, $0x38;
	[tilespmem:$0x1D000] =	vst v63  }
0x1b: {  	_ =	swait.ge [sflag:s13], $0x2780  }
0x1c: {  	[sflag:s13] =	ssyncset.done $0x0  }
0x1d: {  	[sflag:s13] =	ssyncadd.s32 $0xFFFFD880  }
0x1e: {  	s21 =	simm.s32 $0x0;
	[bflag:$0x0] =	sbarrier.arrive $0xFFFF  }
0x1f: {  	[tilespmem:s16], [sflag:$0x1] =	stream.indirect.gather [hbm4b:s2+s15], $0x80, s21, s15, $0xb8;
	[tilespmem:$0x1D000] =	vst v63  }
0x20: {  	_ =	swait.ge [sflag:s17], $0x4000  }
0x21: {  	[sflag:s17] =	ssyncset.done $0x0  }
0x22: {  	s31 =	simm.s32 $0x2800;
	[sflag:s17] =	ssyncadd.s32 $0xFFFFC000  }
0x23: {  	[spmem:s3] =	stream.indirect.scatter.add.f32 [tilespmem:s16], [sflag:$0x2], $0x80, s31, s15, $0xb8;
	[tilespmem:$0x1D000] =	vst v63  }
0x24: {  	_ =	swait.ge [sflag:s13], $0x4000  }
0x25: {  	s22 =	simm.s32 $0x400;
	s21 =	simm.s32 $0x200;
	[sflag:s13] =	ssyncset.done $0x0  }
.LBB2_2:
0x26: {  	s23 =	sshra.s32 s21, $0x2  }
0x27: {  	[sflag:s13] =	ssyncadd.s32 $0xFFFFC000;
	s21 =	smov.u32 s22;
	s24 =	sadd.s32 $0x200, s22  }
0x28: {  	[tilespmem:s16], [sflag:$0x1] =	stream.indirect.gather [hbm4b:s2+s15], $0x80, s23, s15, $0xb8;
	[tilespmem:$0x1D000] =	vst v63  }
0x29: {  	p1 =	sne.s32 s22, $0x9C00;
	_ =	swait.ge [sflag:s17], $0x4000  }
.Ltmp0:
0x2a: {  	[sflag:s17] =	ssyncset.done $0x0;
	(pc) =	sbr.rel @p1 .LBB2_2-.Ltmp0, $4  }
0x2b: {  	s22 =	sadd.s32 $0x2800, s23;
	[sflag:s17] =	ssyncadd.s32 $0xFFFFC000  }
0x2c: {  	[spmem:s3] =	stream.indirect.scatter.add.f32 [tilespmem:s16], [sflag:$0x2], $0x80, s22, s15, $0xb8;
	[tilespmem:$0x1D000] =	vst v63  }
0x2d: {  	_ =	swait.ge [sflag:s13], $0x4000  }
0x2e: {  	s22 =	smov.u32 s24;
	[sflag:s13] =	ssyncset.done $0x0  }
0x2f: {  	s21 =	sshra.s32 s21, $0x2;
	[sflag:s13] =	ssyncadd.s32 $0xFFFFC000  }
0x30: {  	[tilespmem:s16], [sflag:$0x1] =	stream.indirect.gather [hbm4b:s2+s15], $0x80, s21, s15, $0xb8;
	[tilespmem:$0x1D000] =	vst v63  }
0x31: {  	_ =	swait.ge [sflag:s17], $0x4000  }
0x32: {  	[sflag:s17] =	ssyncset.done $0x0  }
0x33: {  	s21 =	sadd.s32 $0x2800, s21;
	[sflag:s17] =	ssyncadd.s32 $0xFFFFC000  }
0x34: {  	[spmem:s3] =	stream.indirect.scatter.add.f32 [tilespmem:s16], [sflag:$0x2], $0x80, s21, s15, $0xb8;
	[tilespmem:$0x1D000] =	vst v63  }
0x35: {  	_ =	swait.ge [sflag:s13], $0x4000  }
0x36: {  	[sflag:s13] =	ssyncset.done $0x0  }
0x37: {  	s22 =	simm.s32 @p0 $0x100;
	[sflag:s13] =	ssyncadd.s32 $0xFFFFC000  }
0x38: {  	s23 =	simm.s32 @p0 $0x80;
	s21 =	simm.s32 @p0 $0x8;
	[bflag:$0x0] =	sbarrier.arrive $0xFFFF  }
0x39: {  	[hbm:s10@s22], [sflag:s6] =	dma.strided @p0 [spmem:s18@s23], $0x1900, s21, $0x10   }
0x3a: {  	s21 =	simm.s32 @p0 $0x2  }
0x3b: {  	s20 =	sadd.s32 $0x1, s20;
	_ =	swait.ge @p0 [sflag:s21], $0x1900  }
0x3c: {  	p1 =	sne.s32 s20, s11;
	s22 =	simm.s32 @!p0 $0x100;
	[sflag:s21] =	ssyncset.done @p0 $0x0  }
0x3d: {  	s23 =	simm.s32 @!p0 $0x80;
	[sflag:s21] =	ssyncadd.s32 @p0 $0xFFFFE700;
	s21 =	simm.s32 @!p0 $0x8  }
0x3e: {  	[hbm:s9@s22], [sflag:s6] =	dma.strided @!p0 [spmem:s19@s23], $0x2800, s21, $0x10   }
.Ltmp1:
0x3f: {  	_ = 	snop;
	(pc) =	sbr.rel @p1 .LBB2_1-.Ltmp1, $4  }
0x40: {  	s21 =	simm.s32 @!p0 $0x2  }
0x41: {  	_ =	swait.ge @!p0 [sflag:s21], $0x2800  }
0x42: {  	[sflag:s21] =	ssyncset.done @!p0 $0x0  }
0x43: {  	[sflag:s21] =	ssyncadd.s32 @!p0 $0xFFFFD800  }
0x44: {  	_ =	sfence.sel $0x180000  }
0x45: {  	[bflag:$0x0] =	sbarrier.arrive $0xFFFF  }
0x46: {  	p0 =	sne.s32 s0, $0x0;
	_ =	strace $0x9000004A  }
0x47: {  	s0 =	sadd.s32 @!p0 $0x100000, s1;
	[bflag:$0x2] =	sbarrier.arrive $0xFFFF  }
0x48: {  	[sflag:s0] =	ssyncadd.tile.s32 @!p0 $0x1;
	_ =	shalt  }
.Lfunc_end2:
_tile_overlayer_lowered:
.L_overlay_start_2:
0x49: {  	(tag) =	ssettag $0x2  }
0x4a: {  	s0 =	rddreg [dreg:$0x0];
	s2 =	stileid.u32  }
0x4b: {  	s1 =	rddreg [dreg:$0x1];
	p0 =	sne.s32 s2, $0x0  }
0x4c: {  	s3 =	rddreg [dreg:$0x2];
	[bflag:$0x3] =	sbarrier.arrive $0xFFFF;
	s2 =	simm.s32 @!p0 $0x1C02  }
0x4d: {  	[timem:s3], [sflag:s2] =	dma.local @!p0 [hbm:s0], s1  }
0x4e: {  	s0 =	simm.s32 @!p0 $0x2  }
0x4f: {  	_ =	swait.ge @!p0 [sflag:s0], s1  }
0x50: {  	s1 =	ssub.s32 @!p0 $0x0, s1;
	[sflag:s0] =	ssyncset.done @!p0 $0x0  }
0x51: {  	[sflag:s0] =	ssyncadd.s32 @!p0 s1  }
0x52: {  	[bflag:$0x3] =	sbarrier.arrive $0xFFFF  }
0x53: {  	_ =	shalt  }

</sc_bundles>
